<compile_context>
chip_gen: v7x
topology: tpu7x:2x2x1
jax: 0.10.2.dev20260603
libtpu: 0.0.44.dev20260713+nightly
codegen_flags: <defaults>
</compile_context>

<pallas_src>
import functools

import jax
import jax.numpy as jnp
from jax import lax
from jax.experimental import pallas as pl
from jax.experimental.pallas import tpu as pltpu
from jax.experimental.pallas import tpu_sc as plsc

_NUM_W = 1000000
_DIM = 64
_NUM_C = 1024
_B = 4096
_T_LEN = 20
_BODY_LEN = 200

_NC, _NS = 2, 16
_NW = _NC * _NS
_SPW = _B // _NW
_PAIRS = _SPW // 2
_TPP = 2 * _T_LEN
_BPP = 2 * _BODY_LEN
_BCH = 80
_NBCH = _BPP // _BCH


def _sc_body(w_hbm, tidx_hbm, bidx_hbm, tsum_hbm, bsum_hbm,
             tidx_v, bidx_v, trows_v, brows_v, tout_v, bout_v, sem):
    wid = lax.axis_index("s") * _NC + lax.axis_index("c")
    sbase = wid * _SPW
    pltpu.sync_copy(tidx_hbm.at[pl.ds(wid * _SPW * _T_LEN, _SPW * _T_LEN)],
                    tidx_v)
    pltpu.sync_copy(bidx_hbm.at[pl.ds(wid * _SPW * _BODY_LEN,
                                      _SPW * _BODY_LEN)], bidx_v)

    def pair_body(j, carry):
        toff = pl.multiple_of(j * _TPP, 8)
        cps = [pltpu.async_copy(w_hbm.at[tidx_v.at[pl.ds(toff, _TPP)]],
                                trows_v, sem)]
        for c in range(_NBCH):
            boff = pl.multiple_of(j * _BPP + c * _BCH, 8)
            cps.append(pltpu.async_copy(
                w_hbm.at[bidx_v.at[pl.ds(boff, _BCH)]],
                brows_v.at[pl.ds(c * _BCH, _BCH)], sem))
        for cp in cps:
            cp.wait()
        for s in range(2):
            tacc = [jnp.zeros((16,), jnp.float32) for _ in range(4)]
            for r in range(_T_LEN):
                for d in range(4):
                    tacc[d] = tacc[d] + trows_v[s * _T_LEN + r,
                                                pl.ds(d * 16, 16)]
            def red8(it, accs):
                a = list(accs)
                for k in range(8):
                    r = s * _BODY_LEN + it * 8 + k
                    for d in range(4):
                        a[d] = a[d] + brows_v[r, pl.ds(d * 16, 16)]
                return tuple(a)
            bacc = lax.fori_loop(
                0, _BODY_LEN // 8, red8,
                tuple(jnp.zeros((16,), jnp.float32) for _ in range(4)))
            row = 2 * j + s
            for d in range(4):
                tout_v[row, pl.ds(d * 16, 16)] = tacc[d]
                bout_v[row, pl.ds(d * 16, 16)] = bacc[d]
        return carry

    lax.fori_loop(0, _PAIRS, pair_body, 0)
    pltpu.sync_copy(tout_v, tsum_hbm.at[pl.ds(sbase, _SPW)])
    pltpu.sync_copy(bout_v, bsum_hbm.at[pl.ds(sbase, _SPW)])


def _sc_pool(W, title2, body2):
    mesh = plsc.VectorSubcoreMesh(core_axis_name="c", subcore_axis_name="s",
                                  num_cores=_NC, num_subcores=_NS)
    f = pl.kernel(
        _sc_body,
        out_type=(jax.ShapeDtypeStruct((_B, _DIM), jnp.float32),
                  jax.ShapeDtypeStruct((_B, _DIM), jnp.float32)),
        mesh=mesh,
        scratch_types=[
            pltpu.VMEM((_SPW * _T_LEN,), jnp.int32),
            pltpu.VMEM((_SPW * _BODY_LEN,), jnp.int32),
            pltpu.VMEM((_TPP, _DIM), jnp.float32),
            pltpu.VMEM((_BPP, _DIM), jnp.float32),
            pltpu.VMEM((_SPW, _DIM), jnp.float32),
            pltpu.VMEM((_SPW, _DIM), jnp.float32),
            pltpu.SemaphoreType.DMA,
        ],
        compiler_params=pltpu.CompilerParams(use_tc_tiling_on_sc=False),
    )
    return f(W, title2, body2)


def _tc_body(nblk, tsum_ref, bsum_ref, tint_ref, bint_ref, c_ref, out_ref,
             acc_rep, acc_rec, acc_d):
    i = pl.program_id(0)

    @pl.when(i == 0)
    def _():
        acc_rep[...] = jnp.zeros_like(acc_rep)
        acc_rec[...] = jnp.zeros_like(acc_rec)
        acc_d[0] = 0.0

    tcnt = jnp.sum((tint_ref[...] > 0).astype(jnp.float32), axis=1,
                   keepdims=True)
    bcnt = jnp.sum((bint_ref[...] > 0).astype(jnp.float32), axis=1,
                   keepdims=True)
    que = 0.3 * tsum_ref[...] / tcnt + 0.7 * bsum_ref[...] / bcnt
    cmat = c_ref[...]
    score = lax.dot_general(que, cmat, (((1,), (1,)), ((), ())),
                            preferred_element_type=jnp.float32)
    m = jnp.max(score, axis=1, keepdims=True)
    e = jnp.exp(score - m)
    probs = e / jnp.sum(e, axis=1, keepdims=True)
    rec = lax.dot_general(probs, cmat, (((1,), (0,)), ((), ())),
                          preferred_element_type=jnp.float32)
    n_rep = jnp.sqrt(jnp.sum(que * que, axis=1, keepdims=True))
    n_rec = jnp.sqrt(jnp.sum(rec * rec, axis=1, keepdims=True))
    denom = jnp.maximum(n_rec * n_rep, 1e-8)
    diag = jnp.sum(rec * que, axis=1, keepdims=True) / denom
    rep_hat = que / jnp.maximum(n_rep, 1e-20)
    rec_hat = rec / jnp.maximum(n_rec, 1e-20)

    acc_rep[...] = acc_rep[...] + jnp.sum(rep_hat, axis=0, keepdims=True)
    acc_rec[...] = acc_rec[...] + jnp.sum(rec_hat, axis=0, keepdims=True)
    acc_d[0] = acc_d[0] + jnp.sum(diag)

    @pl.when(i == nblk - 1)
    def _():
        total = (jnp.float32(_B) * jnp.float32(_B)
                 + jnp.sum(acc_rep[...] * acc_rec[...])
                 - 2.0 * acc_d[0])
        out_ref[...] = jnp.full((1, 1), total, jnp.float32)


def _tc_loss(tsum, bsum, title_int, body_int, C):
    blk = 512
    nblk = _B // blk
    return pl.pallas_call(
        functools.partial(_tc_body, nblk),
        grid=(nblk,),
        in_specs=[
            pl.BlockSpec((blk, _DIM), lambda i: (i, 0)),
            pl.BlockSpec((blk, _DIM), lambda i: (i, 0)),
            pl.BlockSpec((blk, _T_LEN), lambda i: (i, 0)),
            pl.BlockSpec((blk, _BODY_LEN), lambda i: (i, 0)),
            pl.BlockSpec((_NUM_C, _DIM), lambda i: (0, 0)),
        ],
        out_specs=pl.BlockSpec((1, 1), lambda i: (0, 0)),
        out_shape=jax.ShapeDtypeStruct((1, 1), jnp.float32),
        scratch_shapes=[
            pltpu.VMEM((1, _DIM), jnp.float32),
            pltpu.VMEM((1, _DIM), jnp.float32),
            pltpu.SMEM((1,), jnp.float32),
        ],
        compiler_params=pltpu.CompilerParams(
            dimension_semantics=("arbitrary",)),
    )(tsum, bsum, title_int, body_int, C)


def kernel(title_int, body_int, user_int, W, C):
    title2 = title_int.reshape(_B * _T_LEN).astype(jnp.int32)
    body2 = body_int.reshape(_B * _BODY_LEN).astype(jnp.int32)
    tsum, bsum = _sc_pool(W, title2, body2)
    out = _tc_loss(tsum, bsum, title_int.astype(jnp.int32),
                   body_int.astype(jnp.int32), C)
    return out[0, 0]

# --- scband reference (transcript-rebuilt; emitter-appended) ---
"""Pipeline reference for scband-v1-31044023616365 (READ-ONLY COPY).

The authoritative reference and input builder live on the scoring server;
editing this copy changes nothing except your own understanding.
"""

import jax, jax.numpy as jnp
import numpy as np

NUM_W = 1000000
DIM = 64
NUM_C = 1024
B = 4096
T_LEN = 20
BODY_LEN = 200


def setup_inputs(seed: int = 0) -> dict:
    key = jax.random.key(seed)
    k1, k2, k3, k4, k5 = jax.random.split(key, 5)
    title_int = jax.random.randint(k1, (B, T_LEN), 0, NUM_W, dtype=jnp.int64 if jax.config.jax_enable_x64 else jnp.int32)
    body_int = jax.random.randint(k2, (B, BODY_LEN), 0, NUM_W, dtype=jnp.int64 if jax.config.jax_enable_x64 else jnp.int32)
    user_int = jax.random.randint(k3, (B,), 0, NUM_W, dtype=jnp.int64 if jax.config.jax_enable_x64 else jnp.int32)
    W = jax.random.normal(k4, (NUM_W, DIM), dtype=jnp.float32) * 0.02
    C = jax.random.normal(k5, (NUM_C, DIM), dtype=jnp.float32) * 0.02
    return {"title_int": title_int, "body_int": body_int, "user_int": user_int, "W": W, "C": C}


def _mean_pooling(lkup, mask):
    # matches V1.mean_pooling: sums ALL rows (incl. padding lookups), divides by mask count
    return lkup.sum(axis=1) / mask.sum(axis=1, keepdims=True)


def reference(title_int, body_int, user_int, W, C):
    title_mask = (title_int > 0).astype(jnp.float32)
    body_mask = (body_int > 0).astype(jnp.float32)
    # embedding lookups (SparseCore gather)
    title_lkup = jnp.take(W, title_int, axis=0)
    body_lkup = jnp.take(W, body_int, axis=0)
    title_mean = _mean_pooling(title_lkup, title_mask)
    body_mean = _mean_pooling(body_lkup, body_mask)
    que_rep = 0.3 * title_mean + 0.7 * body_mean
    pc_score = que_rep @ C.T
    pc_probs = jax.nn.softmax(pc_score, axis=1)
    que_recon = pc_probs @ C
    # mutual cosine: mut_cos[i, j] = cos(que_recon[i], que_rep[j])  (torch eps=1e-8)
    dots = que_recon @ que_rep.T
    n_rep = jnp.linalg.norm(que_rep, axis=1)
    n_rec = jnp.linalg.norm(que_recon, axis=1)
    denom = jnp.maximum(n_rec[:, None] * n_rep[None, :], 1e-8)
    mut_cos = dots / denom
    n = mut_cos.shape[0]
    ones = jnp.ones_like(mut_cos)
    eye = jnp.eye(n, dtype=mut_cos.dtype)
    margin_point_pair = 1.0 + (ones - eye * 2.0) * mut_cos
    margin_loss = jax.nn.relu(margin_point_pair).sum()
    return margin_loss

if __name__ == "__main__":
    import jax
    _d = setup_inputs()
    print(jax.jit(kernel)(*tuple(_d.values())))

</pallas_src>

<mosaic_0001>
#map = affine_map<(d0, d1) -> (0, 0)>
#map1 = affine_map<(d0, d1) -> (0)>
module attributes {stable_mosaic.version = 14 : i64} {
  func.func @_sc_body(%arg0: i32, %arg1: i32, %arg2: memref<1000000x64xf32, #tpu.memory_space<hbm>>, %arg3: memref<81920xi32, #tpu.memory_space<hbm>>, %arg4: memref<819200xi32, #tpu.memory_space<hbm>>, %arg5: memref<4096x64xf32, #tpu.memory_space<hbm>>, %arg6: memref<4096x64xf32, #tpu.memory_space<hbm>>, %arg7: memref<2560xi32, #tpu.memory_space<vmem>>, %arg8: memref<25600xi32, #tpu.memory_space<vmem>>, %arg9: memref<40x64xf32, #tpu.memory_space<vmem>>, %arg10: memref<400x64xf32, #tpu.memory_space<vmem>>, %arg11: memref<128x64xf32, #tpu.memory_space<vmem>>, %arg12: memref<128x64xf32, #tpu.memory_space<vmem>>, %arg13: memref<!tpu.dma_semaphore, #tpu.memory_space<semaphore_mem>>) attributes {dimension_semantics = [#tpu.dimension_semantics<core_parallel>, #tpu.dimension_semantics<subcore_parallel>], iteration_bounds = array<i64: 2, 16>, scalar_prefetch = 0 : i64, scratch_operands = 7 : i64, tpu.core_type = #tpu.core_type<sc_vector_subcore>, window_params = [{transform_indices = #map}, {transform_indices = #map1}, {transform_indices = #map1}, {transform_indices = #map}, {transform_indices = #map}]} {
    %mul3A = arith.constant 2 : i32
    %mul3A_0 = arith.muli %arg1, %mul3A : i32
    %add3A = arith.addi %mul3A_0, %arg0 : i32
    %mul3A_1 = arith.constant 128 : i32
    %mul3A_2 = arith.muli %add3A, %mul3A_1 : i32
    %mul3A_3 = arith.constant 128 : i32
    %mul3A_4 = arith.muli %add3A, %mul3A_3 : i32
    %mul3A_5 = arith.constant 20 : i32
    %mul3A_6 = arith.muli %mul3A_4, %mul3A_5 : i32
    "tpu.region"() ({
      %run_scoped3A = tpu.sem_alloc : memref<!tpu.dma_semaphore, #tpu.memory_space<semaphore_mem>>
      %dma_start3A = tpu.memref_slice %arg3[%mul3A_6] : memref<81920xi32, #tpu.memory_space<hbm>> -> memref<2560xi32, #tpu.memory_space<hbm>>
      %dma_start3A_16 = tpu.memref_slice %arg3[%mul3A_6] : memref<81920xi32, #tpu.memory_space<hbm>> -> memref<2560xi32, #tpu.memory_space<hbm>>
      tpu.enqueue_dma source(%dma_start3A_16 : memref<2560xi32, #tpu.memory_space<hbm>>) target(%arg7 : memref<2560xi32, #tpu.memory_space<vmem>>) target_semaphore(%run_scoped3A : memref<!tpu.dma_semaphore, #tpu.memory_space<semaphore_mem>>)
      %dma_wait3A = tpu.memref_slice %arg3[%mul3A_6] : memref<81920xi32, #tpu.memory_space<hbm>> -> memref<2560xi32, #tpu.memory_space<hbm>>
      %dma_wait3A_17 = tpu.memref_slice %arg3[%mul3A_6] : memref<81920xi32, #tpu.memory_space<hbm>> -> memref<2560xi32, #tpu.memory_space<hbm>>
      tpu.wait_dma2 semaphore(%run_scoped3A : memref<!tpu.dma_semaphore, #tpu.memory_space<semaphore_mem>>) src(%dma_wait3A_17 : memref<2560xi32, #tpu.memory_space<hbm>>) dst(%arg7 : memref<2560xi32, #tpu.memory_space<vmem>>)
      tpu.yield
    }) : () -> ()
    %mul3A_7 = arith.constant 128 : i32
    %mul3A_8 = arith.muli %add3A, %mul3A_7 : i32
    %mul3A_9 = arith.constant 200 : i32
    %mul3A_10 = arith.muli %mul3A_8, %mul3A_9 : i32
    "tpu.region"() ({
      %run_scoped3A = tpu.sem_alloc : memref<!tpu.dma_semaphore, #tpu.memory_space<semaphore_mem>>
      %dma_start3A = tpu.memref_slice %arg4[%mul3A_10] : memref<819200xi32, #tpu.memory_space<hbm>> -> memref<25600xi32, #tpu.memory_space<hbm>>
      %dma_start3A_16 = tpu.memref_slice %arg4[%mul3A_10] : memref<819200xi32, #tpu.memory_space<hbm>> -> memref<25600xi32, #tpu.memory_space<hbm>>
      tpu.enqueue_dma source(%dma_start3A_16 : memref<25600xi32, #tpu.memory_space<hbm>>) target(%arg8 : memref<25600xi32, #tpu.memory_space<vmem>>) target_semaphore(%run_scoped3A : memref<!tpu.dma_semaphore, #tpu.memory_space<semaphore_mem>>)
      %dma_wait3A = tpu.memref_slice %arg4[%mul3A_10] : memref<819200xi32, #tpu.memory_space<hbm>> -> memref<25600xi32, #tpu.memory_space<hbm>>
      %dma_wait3A_17 = tpu.memref_slice %arg4[%mul3A_10] : memref<819200xi32, #tpu.memory_space<hbm>> -> memref<25600xi32, #tpu.memory_space<hbm>>
      tpu.wait_dma2 semaphore(%run_scoped3A : memref<!tpu.dma_semaphore, #tpu.memory_space<semaphore_mem>>) src(%dma_wait3A_17 : memref<25600xi32, #tpu.memory_space<hbm>>) dst(%arg8 : memref<25600xi32, #tpu.memory_space<vmem>>)
      tpu.yield
    }) : () -> ()
    %scan3A = arith.constant 0 : i32
    %scan3A_11 = arith.constant 0 : i32
    %scan3A_12 = arith.constant 64 : i32
    %scan3A_13 = arith.addi %scan3A_11, %scan3A_12 : i32
    %scan3A_14 = arith.constant 1 : i32
    scf.for %scan3A_16 = %scan3A_11 to %scan3A_13 step %scan3A_14  : i32 {
      %mul3A_17 = arith.constant 40 : i32
      %mul3A_18 = arith.muli %scan3A_16, %mul3A_17 : i32
      %multiple_of3A = tpu.assume_multiple %mul3A_18, 8 : i32
      %dma_start3A = tpu.memref_slice %arg7[%multiple_of3A] : memref<2560xi32, #tpu.memory_space<vmem>> -> memref<40xi32, #tpu.memory_space<vmem>>
      %dma_start3A_19 = arith.constant 0 : i32
      %dma_start3A_20 = arith.constant 0 : i32
      %dma_start3A_21 = tpu.memref_slice %arg2[%dma_start3A_19, %dma_start3A_20] : memref<1000000x64xf32, #tpu.memory_space<hbm>> -> memref<1000000x64xf32, #tpu.memory_space<hbm>>
      tpu.enqueue_indirect_dma source(%dma_start3A_21 : memref<1000000x64xf32, #tpu.memory_space<hbm>>) target(%arg9 : memref<40x64xf32, #tpu.memory_space<vmem>>) offsets(%dma_start3A : memref<40xi32, #tpu.memory_space<vmem>>) semaphore(%arg13 : memref<!tpu.dma_semaphore, #tpu.memory_space<semaphore_mem>>)
      %mul3A_22 = arith.constant 400 : i32
      %mul3A_23 = arith.muli %scan3A_16, %mul3A_22 : i32
      %add3A_24 = arith.constant 0 : i32
      %add3A_25 = arith.addi %mul3A_23, %add3A_24 : i32
      %multiple_of3A_26 = tpu.assume_multiple %add3A_25, 8 : i32
      %dma_start3A_27 = arith.constant 0 : i32
      %dma_start3A_28 = arith.constant 0 : i32
      %dma_start3A_29 = tpu.memref_slice %arg10[%dma_start3A_27, %dma_start3A_28] : memref<400x64xf32, #tpu.memory_space<vmem>> -> memref<80x64xf32, #tpu.memory_space<vmem>>
      %dma_start3A_30 = tpu.memref_slice %arg8[%multiple_of3A_26] : memref<25600xi32, #tpu.memory_space<vmem>> -> memref<80xi32, #tpu.memory_space<vmem>>
      %dma_start3A_31 = arith.constant 0 : i32
      %dma_start3A_32 = arith.constant 0 : i32
      %dma_start3A_33 = tpu.memref_slice %arg2[%dma_start3A_31, %dma_start3A_32] : memref<1000000x64xf32, #tpu.memory_space<hbm>> -> memref<1000000x64xf32, #tpu.memory_space<hbm>>
      tpu.enqueue_indirect_dma source(%dma_start3A_33 : memref<1000000x64xf32, #tpu.memory_space<hbm>>) target(%dma_start3A_29 : memref<80x64xf32, #tpu.memory_space<vmem>>) offsets(%dma_start3A_30 : memref<80xi32, #tpu.memory_space<vmem>>) semaphore(%arg13 : memref<!tpu.dma_semaphore, #tpu.memory_space<semaphore_mem>>)
      %mul3A_34 = arith.constant 400 : i32
      %mul3A_35 = arith.muli %scan3A_16, %mul3A_34 : i32
      %add3A_36 = arith.constant 80 : i32
      %add3A_37 = arith.addi %mul3A_35, %add3A_36 : i32
      %multiple_of3A_38 = tpu.assume_multiple %add3A_37, 8 : i32
      %dma_start3A_39 = arith.constant 80 : i32
      %dma_start3A_40 = arith.constant 0 : i32
      %dma_start3A_41 = tpu.memref_slice %arg10[%dma_start3A_39, %dma_start3A_40] : memref<400x64xf32, #tpu.memory_space<vmem>> -> memref<80x64xf32, #tpu.memory_space<vmem>>
      %dma_start3A_42 = tpu.memref_slice %arg8[%multiple_of3A_38] : memref<25600xi32, #tpu.memory_space<vmem>> -> memref<80xi32, #tpu.memory_space<vmem>>
      %dma_start3A_43 = arith.constant 0 : i32
      %dma_start3A_44 = arith.constant 0 : i32
      %dma_start3A_45 = tpu.memref_slice %arg2[%dma_start3A_43, %dma_start3A_44] : memref<1000000x64xf32, #tpu.memory_space<hbm>> -> memref<1000000x64xf32, #tpu.memory_space<hbm>>
      tpu.enqueue_indirect_dma source(%dma_start3A_45 : memref<1000000x64xf32, #tpu.memory_space<hbm>>) target(%dma_start3A_41 : memref<80x64xf32, #tpu.memory_space<vmem>>) offsets(%dma_start3A_42 : memref<80xi32, #tpu.memory_space<vmem>>) semaphore(%arg13 : memref<!tpu.dma_semaphore, #tpu.memory_space<semaphore_mem>>)
      %mul3A_46 = arith.constant 400 : i32
      %mul3A_47 = arith.muli %scan3A_16, %mul3A_46 : i32
      %add3A_48 = arith.constant 160 : i32
      %add3A_49 = arith.addi %mul3A_47, %add3A_48 : i32
      %multiple_of3A_50 = tpu.assume_multiple %add3A_49, 8 : i32
      %dma_start3A_51 = arith.constant 160 : i32
      %dma_start3A_52 = arith.constant 0 : i32
      %dma_start3A_53 = tpu.memref_slice %arg10[%dma_start3A_51, %dma_start3A_52] : memref<400x64xf32, #tpu.memory_space<vmem>> -> memref<80x64xf32, #tpu.memory_space<vmem>>
      %dma_start3A_54 = tpu.memref_slice %arg8[%multiple_of3A_50] : memref<25600xi32, #tpu.memory_space<vmem>> -> memref<80xi32, #tpu.memory_space<vmem>>
      %dma_start3A_55 = arith.constant 0 : i32
      %dma_start3A_56 = arith.constant 0 : i32
      %dma_start3A_57 = tpu.memref_slice %arg2[%dma_start3A_55, %dma_start3A_56] : memref<1000000x64xf32, #tpu.memory_space<hbm>> -> memref<1000000x64xf32, #tpu.memory_space<hbm>>
      tpu.enqueue_indirect_dma source(%dma_start3A_57 : memref<1000000x64xf32, #tpu.memory_space<hbm>>) target(%dma_start3A_53 : memref<80x64xf32, #tpu.memory_space<vmem>>) offsets(%dma_start3A_54 : memref<80xi32, #tpu.memory_space<vmem>>) semaphore(%arg13 : memref<!tpu.dma_semaphore, #tpu.memory_space<semaphore_mem>>)
      %mul3A_58 = arith.constant 400 : i32
      %mul3A_59 = arith.muli %scan3A_16, %mul3A_58 : i32
      %add3A_60 = arith.constant 240 : i32
      %add3A_61 = arith.addi %mul3A_59, %add3A_60 : i32
      %multiple_of3A_62 = tpu.assume_multiple %add3A_61, 8 : i32
      %dma_start3A_63 = arith.constant 240 : i32
      %dma_start3A_64 = arith.constant 0 : i32
      %dma_start3A_65 = tpu.memref_slice %arg10[%dma_start3A_63, %dma_start3A_64] : memref<400x64xf32, #tpu.memory_space<vmem>> -> memref<80x64xf32, #tpu.memory_space<vmem>>
      %dma_start3A_66 = tpu.memref_slice %arg8[%multiple_of3A_62] : memref<25600xi32, #tpu.memory_space<vmem>> -> memref<80xi32, #tpu.memory_space<vmem>>
      %dma_start3A_67 = arith.constant 0 : i32
      %dma_start3A_68 = arith.constant 0 : i32
      %dma_start3A_69 = tpu.memref_slice %arg2[%dma_start3A_67, %dma_start3A_68] : memref<1000000x64xf32, #tpu.memory_space<hbm>> -> memref<1000000x64xf32, #tpu.memory_space<hbm>>
      tpu.enqueue_indirect_dma source(%dma_start3A_69 : memref<1000000x64xf32, #tpu.memory_space<hbm>>) target(%dma_start3A_65 : memref<80x64xf32, #tpu.memory_space<vmem>>) offsets(%dma_start3A_66 : memref<80xi32, #tpu.memory_space<vmem>>) semaphore(%arg13 : memref<!tpu.dma_semaphore, #tpu.memory_space<semaphore_mem>>)
      %mul3A_70 = arith.constant 400 : i32
      %mul3A_71 = arith.muli %scan3A_16, %mul3A_70 : i32
      %add3A_72 = arith.constant 320 : i32
      %add3A_73 = arith.addi %mul3A_71, %add3A_72 : i32
      %multiple_of3A_74 = tpu.assume_multiple %add3A_73, 8 : i32
      %dma_start3A_75 = arith.constant 320 : i32
      %dma_start3A_76 = arith.constant 0 : i32
      %dma_start3A_77 = tpu.memref_slice %arg10[%dma_start3A_75, %dma_start3A_76] : memref<400x64xf32, #tpu.memory_space<vmem>> -> memref<80x64xf32, #tpu.memory_space<vmem>>
      %dma_start3A_78 = tpu.memref_slice %arg8[%multiple_of3A_74] : memref<25600xi32, #tpu.memory_space<vmem>> -> memref<80xi32, #tpu.memory_space<vmem>>
      %dma_start3A_79 = arith.constant 0 : i32
      %dma_start3A_80 = arith.constant 0 : i32
      %dma_start3A_81 = tpu.memref_slice %arg2[%dma_start3A_79, %dma_start3A_80] : memref<1000000x64xf32, #tpu.memory_space<hbm>> -> memref<1000000x64xf32, #tpu.memory_space<hbm>>
      tpu.enqueue_indirect_dma source(%dma_start3A_81 : memref<1000000x64xf32, #tpu.memory_space<hbm>>) target(%dma_start3A_77 : memref<80x64xf32, #tpu.memory_space<vmem>>) offsets(%dma_start3A_78 : memref<80xi32, #tpu.memory_space<vmem>>) semaphore(%arg13 : memref<!tpu.dma_semaphore, #tpu.memory_space<semaphore_mem>>)
      %dma_wait3A = tpu.memref_slice %arg7[%multiple_of3A] : memref<2560xi32, #tpu.memory_space<vmem>> -> memref<40xi32, #tpu.memory_space<vmem>>
      %dma_wait3A_82 = arith.constant 0 : i32
      %dma_wait3A_83 = arith.constant 0 : i32
      %dma_wait3A_84 = tpu.memref_slice %arg2[%dma_wait3A_82, %dma_wait3A_83] : memref<1000000x64xf32, #tpu.memory_space<hbm>> -> memref<1000000x64xf32, #tpu.memory_space<hbm>>
      tpu.wait_indirect_dma semaphore(%arg13 : memref<!tpu.dma_semaphore, #tpu.memory_space<semaphore_mem>>) src(%dma_wait3A_84 : memref<1000000x64xf32, #tpu.memory_space<hbm>>) dst(%arg9 : memref<40x64xf32, #tpu.memory_space<vmem>>)
      %dma_wait3A_85 = arith.constant 0 : i32
      %dma_wait3A_86 = arith.constant 0 : i32
      %dma_wait3A_87 = tpu.memref_slice %arg10[%dma_wait3A_85, %dma_wait3A_86] : memref<400x64xf32, #tpu.memory_space<vmem>> -> memref<80x64xf32, #tpu.memory_space<vmem>>
      %dma_wait3A_88 = tpu.memref_slice %arg8[%multiple_of3A_26] : memref<25600xi32, #tpu.memory_space<vmem>> -> memref<80xi32, #tpu.memory_space<vmem>>
      %dma_wait3A_89 = arith.constant 0 : i32
      %dma_wait3A_90 = arith.constant 0 : i32
      %dma_wait3A_91 = tpu.memref_slice %arg2[%dma_wait3A_89, %dma_wait3A_90] : memref<1000000x64xf32, #tpu.memory_space<hbm>> -> memref<1000000x64xf32, #tpu.memory_space<hbm>>
      tpu.wait_indirect_dma semaphore(%arg13 : memref<!tpu.dma_semaphore, #tpu.memory_space<semaphore_mem>>) src(%dma_wait3A_91 : memref<1000000x64xf32, #tpu.memory_space<hbm>>) dst(%dma_wait3A_87 : memref<80x64xf32, #tpu.memory_space<vmem>>)
      %dma_wait3A_92 = arith.constant 80 : i32
      %dma_wait3A_93 = arith.constant 0 : i32
      %dma_wait3A_94 = tpu.memref_slice %arg10[%dma_wait3A_92, %dma_wait3A_93] : memref<400x64xf32, #tpu.memory_space<vmem>> -> memref<80x64xf32, #tpu.memory_space<vmem>>
      %dma_wait3A_95 = tpu.memref_slice %arg8[%multiple_of3A_38] : memref<25600xi32, #tpu.memory_space<vmem>> -> memref<80xi32, #tpu.memory_space<vmem>>
      %dma_wait3A_96 = arith.constant 0 : i32
      %dma_wait3A_97 = arith.constant 0 : i32
      %dma_wait3A_98 = tpu.memref_slice %arg2[%dma_wait3A_96, %dma_wait3A_97] : memref<1000000x64xf32, #tpu.memory_space<hbm>> -> memref<1000000x64xf32, #tpu.memory_space<hbm>>
      tpu.wait_indirect_dma semaphore(%arg13 : memref<!tpu.dma_semaphore, #tpu.memory_space<semaphore_mem>>) src(%dma_wait3A_98 : memref<1000000x64xf32, #tpu.memory_space<hbm>>) dst(%dma_wait3A_94 : memref<80x64xf32, #tpu.memory_space<vmem>>)
      %dma_wait3A_99 = arith.constant 160 : i32
      %dma_wait3A_100 = arith.constant 0 : i32
      %dma_wait3A_101 = tpu.memref_slice %arg10[%dma_wait3A_99, %dma_wait3A_100] : memref<400x64xf32, #tpu.memory_space<vmem>> -> memref<80x64xf32, #tpu.memory_space<vmem>>
      %dma_wait3A_102 = tpu.memref_slice %arg8[%multiple_of3A_50] : memref<25600xi32, #tpu.memory_space<vmem>> -> memref<80xi32, #tpu.memory_space<vmem>>
      %dma_wait3A_103 = arith.constant 0 : i32
      %dma_wait3A_104 = arith.constant 0 : i32
      %dma_wait3A_105 = tpu.memref_slice %arg2[%dma_wait3A_103, %dma_wait3A_104] : memref<1000000x64xf32, #tpu.memory_space<hbm>> -> memref<1000000x64xf32, #tpu.memory_space<hbm>>
      tpu.wait_indirect_dma semaphore(%arg13 : memref<!tpu.dma_semaphore, #tpu.memory_space<semaphore_mem>>) src(%dma_wait3A_105 : memref<1000000x64xf32, #tpu.memory_space<hbm>>) dst(%dma_wait3A_101 : memref<80x64xf32, #tpu.memory_space<vmem>>)
      %dma_wait3A_106 = arith.constant 240 : i32
      %dma_wait3A_107 = arith.constant 0 : i32
      %dma_wait3A_108 = tpu.memref_slice %arg10[%dma_wait3A_106, %dma_wait3A_107] : memref<400x64xf32, #tpu.memory_space<vmem>> -> memref<80x64xf32, #tpu.memory_space<vmem>>
      %dma_wait3A_109 = tpu.memref_slice %arg8[%multiple_of3A_62] : memref<25600xi32, #tpu.memory_space<vmem>> -> memref<80xi32, #tpu.memory_space<vmem>>
      %dma_wait3A_110 = arith.constant 0 : i32
      %dma_wait3A_111 = arith.constant 0 : i32
      %dma_wait3A_112 = tpu.memref_slice %arg2[%dma_wait3A_110, %dma_wait3A_111] : memref<1000000x64xf32, #tpu.memory_space<hbm>> -> memref<1000000x64xf32, #tpu.memory_space<hbm>>
      tpu.wait_indirect_dma semaphore(%arg13 : memref<!tpu.dma_semaphore, #tpu.memory_space<semaphore_mem>>) src(%dma_wait3A_112 : memref<1000000x64xf32, #tpu.memory_space<hbm>>) dst(%dma_wait3A_108 : memref<80x64xf32, #tpu.memory_space<vmem>>)
      %dma_wait3A_113 = arith.constant 320 : i32
      %dma_wait3A_114 = arith.constant 0 : i32
      %dma_wait3A_115 = tpu.memref_slice %arg10[%dma_wait3A_113, %dma_wait3A_114] : memref<400x64xf32, #tpu.memory_space<vmem>> -> memref<80x64xf32, #tpu.memory_space<vmem>>
      %dma_wait3A_116 = tpu.memref_slice %arg8[%multiple_of3A_74] : memref<25600xi32, #tpu.memory_space<vmem>> -> memref<80xi32, #tpu.memory_space<vmem>>
      %dma_wait3A_117 = arith.constant 0 : i32
      %dma_wait3A_118 = arith.constant 0 : i32
      %dma_wait3A_119 = tpu.memref_slice %arg2[%dma_wait3A_117, %dma_wait3A_118] : memref<1000000x64xf32, #tpu.memory_space<hbm>> -> memref<1000000x64xf32, #tpu.memory_space<hbm>>
      tpu.wait_indirect_dma semaphore(%arg13 : memref<!tpu.dma_semaphore, #tpu.memory_space<semaphore_mem>>) src(%dma_wait3A_119 : memref<1000000x64xf32, #tpu.memory_space<hbm>>) dst(%dma_wait3A_115 : memref<80x64xf32, #tpu.memory_space<vmem>>)
      %broadcast_in_dim3A = arith.constant 0.000000e+00 : f32
      %broadcast_in_dim3A_120 = vector.broadcast %broadcast_in_dim3A : f32 to vector<16xf32>
      %broadcast_in_dim3A_121 = arith.constant 0.000000e+00 : f32
      %broadcast_in_dim3A_122 = vector.broadcast %broadcast_in_dim3A_121 : f32 to vector<16xf32>
      %broadcast_in_dim3A_123 = arith.constant 0.000000e+00 : f32
      %broadcast_in_dim3A_124 = vector.broadcast %broadcast_in_dim3A_123 : f32 to vector<16xf32>
      %broadcast_in_dim3A_125 = arith.constant 0.000000e+00 : f32
      %broadcast_in_dim3A_126 = vector.broadcast %broadcast_in_dim3A_125 : f32 to vector<16xf32>
      %get3A = arith.constant 0 : i32
      %get3A_127 = arith.index_cast %get3A : i32 to index
      %get3A_128 = arith.constant 0 : index
      %get3A_129 = tpu.vector_load %arg9[%get3A_127, %get3A_128] {strides = array<i32>} : memref<40x64xf32, #tpu.memory_space<vmem>>, vector<1x16xf32>,
      %get3A_130 = vector.shape_cast %get3A_129 : vector<1x16xf32> to vector<16xf32>
      %add3A_131 = arith.addf %broadcast_in_dim3A_120, %get3A_130 : vector<16xf32>
      %get3A_132 = arith.constant 0 : i32
      %get3A_133 = arith.index_cast %get3A_132 : i32 to index
      %get3A_134 = arith.constant 16 : index
      %get3A_135 = tpu.vector_load %arg9[%get3A_133, %get3A_134] {strides = array<i32>} : memref<40x64xf32, #tpu.memory_space<vmem>>, vector<1x16xf32>,
      %get3A_136 = vector.shape_cast %get3A_135 : vector<1x16xf32> to vector<16xf32>
      %add3A_137 = arith.addf %broadcast_in_dim3A_122, %get3A_136 : vector<16xf32>
      %get3A_138 = arith.constant 0 : i32
      %get3A_139 = arith.index_cast %get3A_138 : i32 to index
      %get3A_140 = arith.constant 32 : index
      %get3A_141 = tpu.vector_load %arg9[%get3A_139, %get3A_140] {strides = array<i32>} : memref<40x64xf32, #tpu.memory_space<vmem>>, vector<1x16xf32>,
      %get3A_142 = vector.shape_cast %get3A_141 : vector<1x16xf32> to vector<16xf32>
      %add3A_143 = arith.addf %broadcast_in_dim3A_124, %get3A_142 : vector<16xf32>
      %get3A_144 = arith.constant 0 : i32
      %get3A_145 = arith.index_cast %get3A_144 : i32 to index
      %get3A_146 = arith.constant 48 : index
      %get3A_147 = tpu.vector_load %arg9[%get3A_145, %get3A_146] {strides = array<i32>} : memref<40x64xf32, #tpu.memory_space<vmem>>, vector<1x16xf32>,
      %get3A_148 = vector.shape_cast %get3A_147 : vector<1x16xf32> to vector<16xf32>
      %add3A_149 = arith.addf %broadcast_in_dim3A_126, %get3A_148 : vector<16xf32>
      %get3A_150 = arith.constant 1 : i32
      %get3A_151 = arith.index_cast %get3A_150 : i32 to index
      %get3A_152 = arith.constant 0 : index
      %get3A_153 = tpu.vector_load %arg9[%get3A_151, %get3A_152] {strides = array<i32>} : memref<40x64xf32, #tpu.memory_space<vmem>>, vector<1x16xf32>,
      %get3A_154 = vector.shape_cast %get3A_153 : vector<1x16xf32> to vector<16xf32>
      %add3A_155 = arith.addf %add3A_131, %get3A_154 : vector<16xf32>
      %get3A_156 = arith.constant 1 : i32
      %get3A_157 = arith.index_cast %get3A_156 : i32 to index
      %get3A_158 = arith.constant 16 : index
      %get3A_159 = tpu.vector_load %arg9[%get3A_157, %get3A_158] {strides = array<i32>} : memref<40x64xf32, #tpu.memory_space<vmem>>, vector<1x16xf32>,
      %get3A_160 = vector.shape_cast %get3A_159 : vector<1x16xf32> to vector<16xf32>
      %add3A_161 = arith.addf %add3A_137, %get3A_160 : vector<16xf32>
      %get3A_162 = arith.constant 1 : i32
      %get3A_163 = arith.index_cast %get3A_162 : i32 to index
      %get3A_164 = arith.constant 32 : index
      %get3A_165 = tpu.vector_load %arg9[%get3A_163, %get3A_164] {strides = array<i32>} : memref<40x64xf32, #tpu.memory_space<vmem>>, vector<1x16xf32>,
      %get3A_166 = vector.shape_cast %get3A_165 : vector<1x16xf32> to vector<16xf32>
      %add3A_167 = arith.addf %add3A_143, %get3A_166 : vector<16xf32>
      %get3A_168 = arith.constant 1 : i32
      %get3A_169 = arith.index_cast %get3A_168 : i32 to index
      %get3A_170 = arith.constant 48 : index
      %get3A_171 = tpu.vector_load %arg9[%get3A_169, %get3A_170] {strides = array<i32>} : memref<40x64xf32, #tpu.memory_space<vmem>>, vector<1x16xf32>,
      %get3A_172 = vector.shape_cast %get3A_171 : vector<1x16xf32> to vector<16xf32>
      %add3A_173 = arith.addf %add3A_149, %get3A_172 : vector<16xf32>
      %get3A_174 = arith.constant 2 : i32
      %get3A_175 = arith.index_cast %get3A_174 : i32 to index
      %get3A_176 = arith.constant 0 : index
      %get3A_177 = tpu.vector_load %arg9[%get3A_175, %get3A_176] {strides = array<i32>} : memref<40x64xf32, #tpu.memory_space<vmem>>, vector<1x16xf32>,
      %get3A_178 = vector.shape_cast %get3A_177 : vector<1x16xf32> to vector<16xf32>
      %add3A_179 = arith.addf %add3A_155, %get3A_178 : vector<16xf32>
      %get3A_180 = arith.constant 2 : i32
      %get3A_181 = arith.index_cast %get3A_180 : i32 to index
      %get3A_182 = arith.constant 16 : index
      %get3A_183 = tpu.vector_load %arg9[%get3A_181, %get3A_182] {strides = array<i32>} : memref<40x64xf32, #tpu.memory_space<vmem>>, vector<1x16xf32>,
      %get3A_184 = vector.shape_cast %get3A_183 : vector<1x16xf32> to vector<16xf32>
      %add3A_185 = arith.addf %add3A_161, %get3A_184 : vector<16xf32>
      %get3A_186 = arith.constant 2 : i32
      %get3A_187 = arith.index_cast %get3A_186 : i32 to index
      %get3A_188 = arith.constant 32 : index
      %get3A_189 = tpu.vector_load %arg9[%get3A_187, %get3A_188] {strides = array<i32>} : memref<40x64xf32, #tpu.memory_space<vmem>>, vector<1x16xf32>,
      %get3A_190 = vector.shape_cast %get3A_189 : vector<1x16xf32> to vector<16xf32>
      %add3A_191 = arith.addf %add3A_167, %get3A_190 : vector<16xf32>
      %get3A_192 = arith.constant 2 : i32
      %get3A_193 = arith.index_cast %get3A_192 : i32 to index
      %get3A_194 = arith.constant 48 : index
      %get3A_195 = tpu.vector_load %arg9[%get3A_193, %get3A_194] {strides = array<i32>} : memref<40x64xf32, #tpu.memory_space<vmem>>, vector<1x16xf32>,
      %get3A_196 = vector.shape_cast %get3A_195 : vector<1x16xf32> to vector<16xf32>
      %add3A_197 = arith.addf %add3A_173, %get3A_196 : vector<16xf32>
      %get3A_198 = arith.constant 3 : i32
      %get3A_199 = arith.index_cast %get3A_198 : i32 to index
      %get3A_200 = arith.constant 0 : index
      %get3A_201 = tpu.vector_load %arg9[%get3A_199, %get3A_200] {strides = array<i32>} : memref<40x64xf32, #tpu.memory_space<vmem>>, vector<1x16xf32>,
      %get3A_202 = vector.shape_cast %get3A_201 : vector<1x16xf32> to vector<16xf32>
      %add3A_203 = arith.addf %add3A_179, %get3A_202 : vector<16xf32>
      %get3A_204 = arith.constant 3 : i32
      %get3A_205 = arith.index_cast %get3A_204 : i32 to index
      %get3A_206 = arith.constant 16 : index
      %get3A_207 = tpu.vector_load %arg9[%get3A_205, %get3A_206] {strides = array<i32>} : memref<40x64xf32, #tpu.memory_space<vmem>>, vector<1x16xf32>,
      %get3A_208 = vector.shape_cast %get3A_207 : vector<1x16xf32> to vector<16xf32>
      %add3A_209 = arith.addf %add3A_185, %get3A_208 : vector<16xf32>
      %get3A_210 = arith.constant 3 : i32
      %get3A_211 = arith.index_cast %get3A_210 : i32 to index
      %get3A_212 = arith.constant 32 : index
      %get3A_213 = tpu.vector_load %arg9[%get3A_211, %get3A_212] {strides = array<i32>} : memref<40x64xf32, #tpu.memory_space<vmem>>, vector<1x16xf32>,
      %get3A_214 = vector.shape_cast %get3A_213 : vector<1x16xf32> to vector<16xf32>
      %add3A_215 = arith.addf %add3A_191, %get3A_214 : vector<16xf32>
      %get3A_216 = arith.constant 3 : i32
      %get3A_217 = arith.index_cast %get3A_216 : i32 to index
      %get3A_218 = arith.constant 48 : index
      %get3A_219 = tpu.vector_load %arg9[%get3A_217, %get3A_218] {strides = array<i32>} : memref<40x64xf32, #tpu.memory_space<vmem>>, vector<1x16xf32>,
      %get3A_220 = vector.shape_cast %get3A_219 : vector<1x16xf32> to vector<16xf32>
      %add3A_221 = arith.addf %add3A_197, %get3A_220 : vector<16xf32>
      %get3A_222 = arith.constant 4 : i32
      %get3A_223 = arith.index_cast %get3A_222 : i32 to index
      %get3A_224 = arith.constant 0 : index
      %get3A_225 = tpu.vector_load %arg9[%get3A_223, %get3A_224] {strides = array<i32>} : memref<40x64xf32, #tpu.memory_space<vmem>>, vector<1x16xf32>,
      %get3A_226 = vector.shape_cast %get3A_225 : vector<1x16xf32> to vector<16xf32>
      %add3A_227 = arith.addf %add3A_203, %get3A_226 : vector<16xf32>
      %get3A_228 = arith.constant 4 : i32
      %get3A_229 = arith.index_cast %get3A_228 : i32 to index
      %get3A_230 = arith.constant 16 : index
      %get3A_231 = tpu.vector_load %arg9[%get3A_229, %get3A_230] {strides = array<i32>} : memref<40x64xf32, #tpu.memory_space<vmem>>, vector<1x16xf32>,
      %get3A_232 = vector.shape_cast %get3A_231 : vector<1x16xf32> to vector<16xf32>
      %add3A_233 = arith.addf %add3A_209, %get3A_232 : vector<16xf32>
      %get3A_234 = arith.constant 4 : i32
      %get3A_235 = arith.index_cast %get3A_234 : i32 to index
      %get3A_236 = arith.constant 32 : index
      %get3A_237 = tpu.vector_load %arg9[%get3A_235, %get3A_236] {strides = array<i32>} : memref<40x64xf32, #tpu.memory_space<vmem>>, vector<1x16xf32>,
      %get3A_238 = vector.shape_cast %get3A_237 : vector<1x16xf32> to vector<16xf32>
      %add3A_239 = arith.addf %add3A_215, %get3A_238 : vector<16xf32>
      %get3A_240 = arith.constant 4 : i32
      %get3A_241 = arith.index_cast %get3A_240 : i32 to index
      %get3A_242 = arith.constant 48 : index
      %get3A_243 = tpu.vector_load %arg9[%get3A_241, %get3A_242] {strides = array<i32>} : memref<40x64xf32, #tpu.memory_space<vmem>>, vector<1x16xf32>,
      %get3A_244 = vector.shape_cast %get3A_243 : vector<1x16xf32> to vector<16xf32>
      %add3A_245 = arith.addf %add3A_221, %get3A_244 : vector<16xf32>
      %get3A_246 = arith.constant 5 : i32
      %get3A_247 = arith.index_cast %get3A_246 : i32 to index
      %get3A_248 = arith.constant 0 : index
      %get3A_249 = tpu.vector_load %arg9[%get3A_247, %get3A_248] {strides = array<i32>} : memref<40x64xf32, #tpu.memory_space<vmem>>, vector<1x16xf32>,
      %get3A_250 = vector.shape_cast %get3A_249 : vector<1x16xf32> to vector<16xf32>
      %add3A_251 = arith.addf %add3A_227, %get3A_250 : vector<16xf32>
      %get3A_252 = arith.constant 5 : i32
      %get3A_253 = arith.index_cast %get3A_252 : i32 to index
      %get3A_254 = arith.constant 16 : index
      %get3A_255 = tpu.vector_load %arg9[%get3A_253, %get3A_254] {strides = array<i32>} : memref<40x64xf32, #tpu.memory_space<vmem>>, vector<1x16xf32>,
      %get3A_256 = vector.shape_cast %get3A_255 : vector<1x16xf32> to vector<16xf32>
      %add3A_257 = arith.addf %add3A_233, %get3A_256 : vector<16xf32>
      %get3A_258 = arith.constant 5 : i32
      %get3A_259 = arith.index_cast %get3A_258 : i32 to index
      %get3A_260 = arith.constant 32 : index
      %get3A_261 = tpu.vector_load %arg9[%get3A_259, %get3A_260] {strides = array<i32>} : memref<40x64xf32, #tpu.memory_space<vmem>>, vector<1x16xf32>,
      %get3A_262 = vector.shape_cast %get3A_261 : vector<1x16xf32> to vector<16xf32>
      %add3A_263 = arith.addf %add3A_239, %get3A_262 : vector<16xf32>
      %get3A_264 = arith.constant 5 : i32
      %get3A_265 = arith.index_cast %get3A_264 : i32 to index
      %get3A_266 = arith.constant 48 : index
      %get3A_267 = tpu.vector_load %arg9[%get3A_265, %get3A_266] {strides = array<i32>} : memref<40x64xf32, #tpu.memory_space<vmem>>, vector<1x16xf32>,
      %get3A_268 = vector.shape_cast %get3A_267 : vector<1x16xf32> to vector<16xf32>
      %add3A_269 = arith.addf %add3A_245, %get3A_268 : vector<16xf32>
      %get3A_270 = arith.constant 6 : i32
      %get3A_271 = arith.index_cast %get3A_270 : i32 to index
      %get3A_272 = arith.constant 0 : index
      %get3A_273 = tpu.vector_load %arg9[%get3A_271, %get3A_272] {strides = array<i32>} : memref<40x64xf32, #tpu.memory_space<vmem>>, vector<1x16xf32>,
      %get3A_274 = vector.shape_cast %get3A_273 : vector<1x16xf32> to vector<16xf32>
      %add3A_275 = arith.addf %add3A_251, %get3A_274 : vector<16xf32>
      %get3A_276 = arith.constant 6 : i32
      %get3A_277 = arith.index_cast %get3A_276 : i32 to index
      %get3A_278 = arith.constant 16 : index
      %get3A_279 = tpu.vector_load %arg9[%get3A_277, %get3A_278] {strides = array<i32>} : memref<40x64xf32, #tpu.memory_space<vmem>>, vector<1x16xf32>,
      %get3A_280 = vector.shape_cast %get3A_279 : vector<1x16xf32> to vector<16xf32>
      %add3A_281 = arith.addf %add3A_257, %get3A_280 : vector<16xf32>
      %get3A_282 = arith.constant 6 : i32
      %get3A_283 = arith.index_cast %get3A_282 : i32 to index
      %get3A_284 = arith.constant 32 : index
      %get3A_285 = tpu.vector_load %arg9[%get3A_283, %get3A_284] {strides = array<i32>} : memref<40x64xf32, #tpu.memory_space<vmem>>, vector<1x16xf32>,
      %get3A_286 = vector.shape_cast %get3A_285 : vector<1x16xf32> to vector<16xf32>
      %add3A_287 = arith.addf %add3A_263, %get3A_286 : vector<16xf32>
      %get3A_288 = arith.constant 6 : i32
      %get3A_289 = arith.index_cast %get3A_288 : i32 to index
      %get3A_290 = arith.constant 48 : index
      %get3A_291 = tpu.vector_load %arg9[%get3A_289, %get3A_290] {strides = array<i32>} : memref<40x64xf32, #tpu.memory_space<vmem>>, vector<1x16xf32>,
      %get3A_292 = vector.shape_cast %get3A_291 : vector<1x16xf32> to vector<16xf32>
      %add3A_293 = arith.addf %add3A_269, %get3A_292 : vector<16xf32>
      %get3A_294 = arith.constant 7 : i32
      %get3A_295 = arith.index_cast %get3A_294 : i32 to index
      %get3A_296 = arith.constant 0 : index
      %get3A_297 = tpu.vector_load %arg9[%get3A_295, %get3A_296] {strides = array<i32>} : memref<40x64xf32, #tpu.memory_space<vmem>>, vector<1x16xf32>,
      %get3A_298 = vector.shape_cast %get3A_297 : vector<1x16xf32> to vector<16xf32>
      %add3A_299 = arith.addf %add3A_275, %get3A_298 : vector<16xf32>
      %get3A_300 = arith.constant 7 : i32
      %get3A_301 = arith.index_cast %get3A_300 : i32 to index
      %get3A_302 = arith.constant 16 : index
      %get3A_303 = tpu.vector_load %arg9[%get3A_301, %get3A_302] {strides = array<i32>} : memref<40x64xf32, #tpu.memory_space<vmem>>, vector<1x16xf32>,
      %get3A_304 = vector.shape_cast %get3A_303 : vector<1x16xf32> to vector<16xf32>
      %add3A_305 = arith.addf %add3A_281, %get3A_304 : vector<16xf32>
      %get3A_306 = arith.constant 7 : i32
      %get3A_307 = arith.index_cast %get3A_306 : i32 to index
      %get3A_308 = arith.constant 32 : index
      %get3A_309 = tpu.vector_load %arg9[%get3A_307, %get3A_308] {strides = array<i32>} : memref<40x64xf32, #tpu.memory_space<vmem>>, vector<1x16xf32>,
      %get3A_310 = vector.shape_cast %get3A_309 : vector<1x16xf32> to vector<16xf32>
      %add3A_311 = arith.addf %add3A_287, %get3A_310 : vector<16xf32>
      %get3A_312 = arith.constant 7 : i32
      %get3A_313 = arith.index_cast %get3A_312 : i32 to index
      %get3A_314 = arith.constant 48 : index
      %get3A_315 = tpu.vector_load %arg9[%get3A_313, %get3A_314] {strides = array<i32>} : memref<40x64xf32, #tpu.memory_space<vmem>>, vector<1x16xf32>,
      %get3A_316 = vector.shape_cast %get3A_315 : vector<1x16xf32> to vector<16xf32>
      %add3A_317 = arith.addf %add3A_293, %get3A_316 : vector<16xf32>
      %get3A_318 = arith.constant 8 : i32
      %get3A_319 = arith.index_cast %get3A_318 : i32 to index
      %get3A_320 = arith.constant 0 : index
      %get3A_321 = tpu.vector_load %arg9[%get3A_319, %get3A_320] {strides = array<i32>} : memref<40x64xf32, #tpu.memory_space<vmem>>, vector<1x16xf32>,
      %get3A_322 = vector.shape_cast %get3A_321 : vector<1x16xf32> to vector<16xf32>
      %add3A_323 = arith.addf %add3A_299, %get3A_322 : vector<16xf32>
      %get3A_324 = arith.constant 8 : i32
      %get3A_325 = arith.index_cast %get3A_324 : i32 to index
      %get3A_326 = arith.constant 16 : index
      %get3A_327 = tpu.vector_load %arg9[%get3A_325, %get3A_326] {strides = array<i32>} : memref<40x64xf32, #tpu.memory_space<vmem>>, vector<1x16xf32>,
      %get3A_328 = vector.shape_cast %get3A_327 : vector<1x16xf32> to vector<16xf32>
      %add3A_329 = arith.addf %add3A_305, %get3A_328 : vector<16xf32>
      %get3A_330 = arith.constant 8 : i32
      %get3A_331 = arith.index_cast %get3A_330 : i32 to index
      %get3A_332 = arith.constant 32 : index
      %get3A_333 = tpu.vector_load %arg9[%get3A_331, %get3A_332] {strides = array<i32>} : memref<40x64xf32, #tpu.memory_space<vmem>>, vector<1x16xf32>,
      %get3A_334 = vector.shape_cast %get3A_333 : vector<1x16xf32> to vector<16xf32>
      %add3A_335 = arith.addf %add3A_311, %get3A_334 : vector<16xf32>
      %get3A_336 = arith.constant 8 : i32
      %get3A_337 = arith.index_cast %get3A_336 : i32 to index
      %get3A_338 = arith.constant 48 : index
      %get3A_339 = tpu.vector_load %arg9[%get3A_337, %get3A_338] {strides = array<i32>} : memref<40x64xf32, #tpu.memory_space<vmem>>, vector<1x16xf32>,
      %get3A_340 = vector.shape_cast %get3A_339 : vector<1x16xf32> to vector<16xf32>
      %add3A_341 = arith.addf %add3A_317, %get3A_340 : vector<16xf32>
      %get3A_342 = arith.constant 9 : i32
      %get3A_343 = arith.index_cast %get3A_342 : i32 to index
      %get3A_344 = arith.constant 0 : index
      %get3A_345 = tpu.vector_load %arg9[%get3A_343, %get3A_344] {strides = array<i32>} : memref<40x64xf32, #tpu.memory_space<vmem>>, vector<1x16xf32>,
      %get3A_346 = vector.shape_cast %get3A_345 : vector<1x16xf32> to vector<16xf32>
      %add3A_347 = arith.addf %add3A_323, %get3A_346 : vector<16xf32>
      %get3A_348 = arith.constant 9 : i32
      %get3A_349 = arith.index_cast %get3A_348 : i32 to index
      %get3A_350 = arith.constant 16 : index
      %get3A_351 = tpu.vector_load %arg9[%get3A_349, %get3A_350] {strides = array<i32>} : memref<40x64xf32, #tpu.memory_space<vmem>>, vector<1x16xf32>,
      %get3A_352 = vector.shape_cast %get3A_351 : vector<1x16xf32> to vector<16xf32>
      %add3A_353 = arith.addf %add3A_329, %get3A_352 : vector<16xf32>
      %get3A_354 = arith.constant 9 : i32
      %get3A_355 = arith.index_cast %get3A_354 : i32 to index
      %get3A_356 = arith.constant 32 : index
      %get3A_357 = tpu.vector_load %arg9[%get3A_355, %get3A_356] {strides = array<i32>} : memref<40x64xf32, #tpu.memory_space<vmem>>, vector<1x16xf32>,
      %get3A_358 = vector.shape_cast %get3A_357 : vector<1x16xf32> to vector<16xf32>
      %add3A_359 = arith.addf %add3A_335, %get3A_358 : vector<16xf32>
      %get3A_360 = arith.constant 9 : i32
      %get3A_361 = arith.index_cast %get3A_360 : i32 to index
      %get3A_362 = arith.constant 48 : index
      %get3A_363 = tpu.vector_load %arg9[%get3A_361, %get3A_362] {strides = array<i32>} : memref<40x64xf32, #tpu.memory_space<vmem>>, vector<1x16xf32>,
      %get3A_364 = vector.shape_cast %get3A_363 : vector<1x16xf32> to vector<16xf32>
      %add3A_365 = arith.addf %add3A_341, %get3A_364 : vector<16xf32>
      %get3A_366 = arith.constant 10 : i32
      %get3A_367 = arith.index_cast %get3A_366 : i32 to index
      %get3A_368 = arith.constant 0 : index
      %get3A_369 = tpu.vector_load %arg9[%get3A_367, %get3A_368] {strides = array<i32>} : memref<40x64xf32, #tpu.memory_space<vmem>>, vector<1x16xf32>,
      %get3A_370 = vector.shape_cast %get3A_369 : vector<1x16xf32> to vector<16xf32>
      %add3A_371 = arith.addf %add3A_347, %get3A_370 : vector<16xf32>
      %get3A_372 = arith.constant 10 : i32
      %get3A_373 = arith.index_cast %get3A_372 : i32 to index
      %get3A_374 = arith.constant 16 : index
      %get3A_375 = tpu.vector_load %arg9[%get3A_373, %get3A_374] {strides = array<i32>} : memref<40x64xf32, #tpu.memory_space<vmem>>, vector<1x16xf32>,
      %get3A_376 = vector.shape_cast %get3A_375 : vector<1x16xf32> to vector<16xf32>
      %add3A_377 = arith.addf %add3A_353, %get3A_376 : vector<16xf32>
      %get3A_378 = arith.constant 10 : i32
      %get3A_379 = arith.index_cast %get3A_378 : i32 to index
      %get3A_380 = arith.constant 32 : index
      %get3A_381 = tpu.vector_load %arg9[%get3A_379, %get3A_380] {strides = array<i32>} : memref<40x64xf32, #tpu.memory_space<vmem>>, vector<1x16xf32>,
      %get3A_382 = vector.shape_cast %get3A_381 : vector<1x16xf32> to vector<16xf32>
      %add3A_383 = arith.addf %add3A_359, %get3A_382 : vector<16xf32>
      %get3A_384 = arith.constant 10 : i32
      %get3A_385 = arith.index_cast %get3A_384 : i32 to index
      %get3A_386 = arith.constant 48 : index
      %get3A_387 = tpu.vector_load %arg9[%get3A_385, %get3A_386] {strides = array<i32>} : memref<40x64xf32, #tpu.memory_space<vmem>>, vector<1x16xf32>,
      %get3A_388 = vector.shape_cast %get3A_387 : vector<1x16xf32> to vector<16xf32>
      %add3A_389 = arith.addf %add3A_365, %get3A_388 : vector<16xf32>
      %get3A_390 = arith.constant 11 : i32
      %get3A_391 = arith.index_cast %get3A_390 : i32 to index
      %get3A_392 = arith.constant 0 : index
      %get3A_393 = tpu.vector_load %arg9[%get3A_391, %get3A_392] {strides = array<i32>} : memref<40x64xf32, #tpu.memory_space<vmem>>, vector<1x16xf32>,
      %get3A_394 = vector.shape_cast %get3A_393 : vector<1x16xf32> to vector<16xf32>
      %add3A_395 = arith.addf %add3A_371, %get3A_394 : vector<16xf32>
      %get3A_396 = arith.constant 11 : i32
      %get3A_397 = arith.index_cast %get3A_396 : i32 to index
      %get3A_398 = arith.constant 16 : index
      %get3A_399 = tpu.vector_load %arg9[%get3A_397, %get3A_398] {strides = array<i32>} : memref<40x64xf32, #tpu.memory_space<vmem>>, vector<1x16xf32>,
      %get3A_400 = vector.shape_cast %get3A_399 : vector<1x16xf32> to vector<16xf32>
      %add3A_401 = arith.addf %add3A_377, %get3A_400 : vector<16xf32>
      %get3A_402 = arith.constant 11 : i32
      %get3A_403 = arith.index_cast %get3A_402 : i32 to index
      %get3A_404 = arith.constant 32 : index
      %get3A_405 = tpu.vector_load %arg9[%get3A_403, %get3A_404] {strides = array<i32>} : memref<40x64xf32, #tpu.memory_space<vmem>>, vector<1x16xf32>,
      %get3A_406 = vector.shape_cast %get3A_405 : vector<1x16xf32> to vector<16xf32>
      %add3A_407 = arith.addf %add3A_383, %get3A_406 : vector<16xf32>
      %get3A_408 = arith.constant 11 : i32
      %get3A_409 = arith.index_cast %get3A_408 : i32 to index
      %get3A_410 = arith.constant 48 : index
      %get3A_411 = tpu.vector_load %arg9[%get3A_409, %get3A_410] {strides = array<i32>} : memref<40x64xf32, #tpu.memory_space<vmem>>, vector<1x16xf32>,
      %get3A_412 = vector.shape_cast %get3A_411 : vector<1x16xf32> to vector<16xf32>
      %add3A_413 = arith.addf %add3A_389, %get3A_412 : vector<16xf32>
      %get3A_414 = arith.constant 12 : i32
      %get3A_415 = arith.index_cast %get3A_414 : i32 to index
      %get3A_416 = arith.constant 0 : index
      %get3A_417 = tpu.vector_load %arg9[%get3A_415, %get3A_416] {strides = array<i32>} : memref<40x64xf32, #tpu.memory_space<vmem>>, vector<1x16xf32>,
      %get3A_418 = vector.shape_cast %get3A_417 : vector<1x16xf32> to vector<16xf32>
      %add3A_419 = arith.addf %add3A_395, %get3A_418 : vector<16xf32>
      %get3A_420 = arith.constant 12 : i32
      %get3A_421 = arith.index_cast %get3A_420 : i32 to index
      %get3A_422 = arith.constant 16 : index
      %get3A_423 = tpu.vector_load %arg9[%get3A_421, %get3A_422] {strides = array<i32>} : memref<40x64xf32, #tpu.memory_space<vmem>>, vector<1x16xf32>,
      %get3A_424 = vector.shape_cast %get3A_423 : vector<1x16xf32> to vector<16xf32>
      %add3A_425 = arith.addf %add3A_401, %get3A_424 : vector<16xf32>
      %get3A_426 = arith.constant 12 : i32
      %get3A_427 = arith.index_cast %get3A_426 : i32 to index
      %get3A_428 = arith.constant 32 : index
      %get3A_429 = tpu.vector_load %arg9[%get3A_427, %get3A_428] {strides = array<i32>} : memref<40x64xf32, #tpu.memory_space<vmem>>, vector<1x16xf32>,
      %get3A_430 = vector.shape_cast %get3A_429 : vector<1x16xf32> to vector<16xf32>
      %add3A_431 = arith.addf %add3A_407, %get3A_430 : vector<16xf32>
      %get3A_432 = arith.constant 12 : i32
      %get3A_433 = arith.index_cast %get3A_432 : i32 to index
      %get3A_434 = arith.constant 48 : index
      %get3A_435 = tpu.vector_load %arg9[%get3A_433, %get3A_434] {strides = array<i32>} : memref<40x64xf32, #tpu.memory_space<vmem>>, vector<1x16xf32>,
      %get3A_436 = vector.shape_cast %get3A_435 : vector<1x16xf32> to vector<16xf32>
      %add3A_437 = arith.addf %add3A_413, %get3A_436 : vector<16xf32>
      %get3A_438 = arith.constant 13 : i32
      %get3A_439 = arith.index_cast %get3A_438 : i32 to index
      %get3A_440 = arith.constant 0 : index
      %get3A_441 = tpu.vector_load %arg9[%get3A_439, %get3A_440] {strides = array<i32>} : memref<40x64xf32, #tpu.memory_space<vmem>>, vector<1x16xf32>,
      %get3A_442 = vector.shape_cast %get3A_441 : vector<1x16xf32> to vector<16xf32>
      %add3A_443 = arith.addf %add3A_419, %get3A_442 : vector<16xf32>
      %get3A_444 = arith.constant 13 : i32
      %get3A_445 = arith.index_cast %get3A_444 : i32 to index
      %get3A_446 = arith.constant 16 : index
      %get3A_447 = tpu.vector_load %arg9[%get3A_445, %get3A_446] {strides = array<i32>} : memref<40x64xf32, #tpu.memory_space<vmem>>, vector<1x16xf32>,
      %get3A_448 = vector.shape_cast %get3A_447 : vector<1x16xf32> to vector<16xf32>
      %add3A_449 = arith.addf %add3A_425, %get3A_448 : vector<16xf32>
      %get3A_450 = arith.constant 13 : i32
      %get3A_451 = arith.index_cast %get3A_450 : i32 to index
      %get3A_452 = arith.constant 32 : index
      %get3A_453 = tpu.vector_load %arg9[%get3A_451, %get3A_452] {strides = array<i32>} : memref<40x64xf32, #tpu.memory_space<vmem>>, vector<1x16xf32>,
      %get3A_454 = vector.shape_cast %get3A_453 : vector<1x16xf32> to vector<16xf32>
      %add3A_455 = arith.addf %add3A_431, %get3A_454 : vector<16xf32>
      %get3A_456 = arith.constant 13 : i32
      %get3A_457 = arith.index_cast %get3A_456 : i32 to index
      %get3A_458 = arith.constant 48 : index
      %get3A_459 = tpu.vector_load %arg9[%get3A_457, %get3A_458] {strides = array<i32>} : memref<40x64xf32, #tpu.memory_space<vmem>>, vector<1x16xf32>,
      %get3A_460 = vector.shape_cast %get3A_459 : vector<1x16xf32> to vector<16xf32>
      %add3A_461 = arith.addf %add3A_437, %get3A_460 : vector<16xf32>
      %get3A_462 = arith.constant 14 : i32
      %get3A_463 = arith.index_cast %get3A_462 : i32 to index
      %get3A_464 = arith.constant 0 : index
      %get3A_465 = tpu.vector_load %arg9[%get3A_463, %get3A_464] {strides = array<i32>} : memref<40x64xf32, #tpu.memory_space<vmem>>, vector<1x16xf32>,
      %get3A_466 = vector.shape_cast %get3A_465 : vector<1x16xf32> to vector<16xf32>
      %add3A_467 = arith.addf %add3A_443, %get3A_466 : vector<16xf32>
      %get3A_468 = arith.constant 14 : i32
      %get3A_469 = arith.index_cast %get3A_468 : i32 to index
      %get3A_470 = arith.constant 16 : index
      %get3A_471 = tpu.vector_load %arg9[%get3A_469, %get3A_470] {strides = array<i32>} : memref<40x64xf32, #tpu.memory_space<vmem>>, vector<1x16xf32>,
      %get3A_472 = vector.shape_cast %get3A_471 : vector<1x16xf32> to vector<16xf32>
      %add3A_473 = arith.addf %add3A_449, %get3A_472 : vector<16xf32>
      %get3A_474 = arith.constant 14 : i32
      %get3A_475 = arith.index_cast %get3A_474 : i32 to index
      %get3A_476 = arith.constant 32 : index
      %get3A_477 = tpu.vector_load %arg9[%get3A_475, %get3A_476] {strides = array<i32>} : memref<40x64xf32, #tpu.memory_space<vmem>>, vector<1x16xf32>,
      %get3A_478 = vector.shape_cast %get3A_477 : vector<1x16xf32> to vector<16xf32>
      %add3A_479 = arith.addf %add3A_455, %get3A_478 : vector<16xf32>
      %get3A_480 = arith.constant 14 : i32
      %get3A_481 = arith.index_cast %get3A_480 : i32 to index
      %get3A_482 = arith.constant 48 : index
      %get3A_483 = tpu.vector_load %arg9[%get3A_481, %get3A_482] {strides = array<i32>} : memref<40x64xf32, #tpu.memory_space<vmem>>, vector<1x16xf32>,
      %get3A_484 = vector.shape_cast %get3A_483 : vector<1x16xf32> to vector<16xf32>
      %add3A_485 = arith.addf %add3A_461, %get3A_484 : vector<16xf32>
      %get3A_486 = arith.constant 15 : i32
      %get3A_487 = arith.index_cast %get3A_486 : i32 to index
      %get3A_488 = arith.constant 0 : index
      %get3A_489 = tpu.vector_load %arg9[%get3A_487, %get3A_488] {strides = array<i32>} : memref<40x64xf32, #tpu.memory_space<vmem>>, vector<1x16xf32>,
      %get3A_490 = vector.shape_cast %get3A_489 : vector<1x16xf32> to vector<16xf32>
      %add3A_491 = arith.addf %add3A_467, %get3A_490 : vector<16xf32>
      %get3A_492 = arith.constant 15 : i32
      %get3A_493 = arith.index_cast %get3A_492 : i32 to index
      %get3A_494 = arith.constant 16 : index
      %get3A_495 = tpu.vector_load %arg9[%get3A_493, %get3A_494] {strides = array<i32>} : memref<40x64xf32, #tpu.memory_space<vmem>>, vector<1x16xf32>,
      %get3A_496 = vector.shape_cast %get3A_495 : vector<1x16xf32> to vector<16xf32>
      %add3A_497 = arith.addf %add3A_473, %get3A_496 : vector<16xf32>
      %get3A_498 = arith.constant 15 : i32
      %get3A_499 = arith.index_cast %get3A_498 : i32 to index
      %get3A_500 = arith.constant 32 : index
      %get3A_501 = tpu.vector_load %arg9[%get3A_499, %get3A_500] {strides = array<i32>} : memref<40x64xf32, #tpu.memory_space<vmem>>, vector<1x16xf32>,
      %get3A_502 = vector.shape_cast %get3A_501 : vector<1x16xf32> to vector<16xf32>
      %add3A_503 = arith.addf %add3A_479, %get3A_502 : vector<16xf32>
      %get3A_504 = arith.constant 15 : i32
      %get3A_505 = arith.index_cast %get3A_504 : i32 to index
      %get3A_506 = arith.constant 48 : index
      %get3A_507 = tpu.vector_load %arg9[%get3A_505, %get3A_506] {strides = array<i32>} : memref<40x64xf32, #tpu.memory_space<vmem>>, vector<1x16xf32>,
      %get3A_508 = vector.shape_cast %get3A_507 : vector<1x16xf32> to vector<16xf32>
      %add3A_509 = arith.addf %add3A_485, %get3A_508 : vector<16xf32>
      %get3A_510 = arith.constant 16 : i32
      %get3A_511 = arith.index_cast %get3A_510 : i32 to index
      %get3A_512 = arith.constant 0 : index
      %get3A_513 = tpu.vector_load %arg9[%get3A_511, %get3A_512] {strides = array<i32>} : memref<40x64xf32, #tpu.memory_space<vmem>>, vector<1x16xf32>,
      %get3A_514 = vector.shape_cast %get3A_513 : vector<1x16xf32> to vector<16xf32>
      %add3A_515 = arith.addf %add3A_491, %get3A_514 : vector<16xf32>
      %get3A_516 = arith.constant 16 : i32
      %get3A_517 = arith.index_cast %get3A_516 : i32 to index
      %get3A_518 = arith.constant 16 : index
      %get3A_519 = tpu.vector_load %arg9[%get3A_517, %get3A_518] {strides = array<i32>} : memref<40x64xf32, #tpu.memory_space<vmem>>, vector<1x16xf32>,
      %get3A_520 = vector.shape_cast %get3A_519 : vector<1x16xf32> to vector<16xf32>
      %add3A_521 = arith.addf %add3A_497, %get3A_520 : vector<16xf32>
      %get3A_522 = arith.constant 16 : i32
      %get3A_523 = arith.index_cast %get3A_522 : i32 to index
      %get3A_524 = arith.constant 32 : index
      %get3A_525 = tpu.vector_load %arg9[%get3A_523, %get3A_524] {strides = array<i32>} : memref<40x64xf32, #tpu.memory_space<vmem>>, vector<1x16xf32>,
      %get3A_526 = vector.shape_cast %get3A_525 : vector<1x16xf32> to vector<16xf32>
      %add3A_527 = arith.addf %add3A_503, %get3A_526 : vector<16xf32>
      %get3A_528 = arith.constant 16 : i32
      %get3A_529 = arith.index_cast %get3A_528 : i32 to index
      %get3A_530 = arith.constant 48 : index
      %get3A_531 = tpu.vector_load %arg9[%get3A_529, %get3A_530] {strides = array<i32>} : memref<40x64xf32, #tpu.memory_space<vmem>>, vector<1x16xf32>,
      %get3A_532 = vector.shape_cast %get3A_531 : vector<1x16xf32> to vector<16xf32>
      %add3A_533 = arith.addf %add3A_509, %get3A_532 : vector<16xf32>
      %get3A_534 = arith.constant 17 : i32
      %get3A_535 = arith.index_cast %get3A_534 : i32 to index
      %get3A_536 = arith.constant 0 : index
      %get3A_537 = tpu.vector_load %arg9[%get3A_535, %get3A_536] {strides = array<i32>} : memref<40x64xf32, #tpu.memory_space<vmem>>, vector<1x16xf32>,
      %get3A_538 = vector.shape_cast %get3A_537 : vector<1x16xf32> to vector<16xf32>
      %add3A_539 = arith.addf %add3A_515, %get3A_538 : vector<16xf32>
      %get3A_540 = arith.constant 17 : i32
      %get3A_541 = arith.index_cast %get3A_540 : i32 to index
      %get3A_542 = arith.constant 16 : index
      %get3A_543 = tpu.vector_load %arg9[%get3A_541, %get3A_542] {strides = array<i32>} : memref<40x64xf32, #tpu.memory_space<vmem>>, vector<1x16xf32>,
      %get3A_544 = vector.shape_cast %get3A_543 : vector<1x16xf32> to vector<16xf32>
      %add3A_545 = arith.addf %add3A_521, %get3A_544 : vector<16xf32>
      %get3A_546 = arith.constant 17 : i32
      %get3A_547 = arith.index_cast %get3A_546 : i32 to index
      %get3A_548 = arith.constant 32 : index
      %get3A_549 = tpu.vector_load %arg9[%get3A_547, %get3A_548] {strides = array<i32>} : memref<40x64xf32, #tpu.memory_space<vmem>>, vector<1x16xf32>,
      %get3A_550 = vector.shape_cast %get3A_549 : vector<1x16xf32> to vector<16xf32>
      %add3A_551 = arith.addf %add3A_527, %get3A_550 : vector<16xf32>
      %get3A_552 = arith.constant 17 : i32
      %get3A_553 = arith.index_cast %get3A_552 : i32 to index
      %get3A_554 = arith.constant 48 : index
      %get3A_555 = tpu.vector_load %arg9[%get3A_553, %get3A_554] {strides = array<i32>} : memref<40x64xf32, #tpu.memory_space<vmem>>, vector<1x16xf32>,
      %get3A_556 = vector.shape_cast %get3A_555 : vector<1x16xf32> to vector<16xf32>
      %add3A_557 = arith.addf %add3A_533, %get3A_556 : vector<16xf32>
      %get3A_558 = arith.constant 18 : i32
      %get3A_559 = arith.index_cast %get3A_558 : i32 to index
      %get3A_560 = arith.constant 0 : index
      %get3A_561 = tpu.vector_load %arg9[%get3A_559, %get3A_560] {strides = array<i32>} : memref<40x64xf32, #tpu.memory_space<vmem>>, vector<1x16xf32>,
      %get3A_562 = vector.shape_cast %get3A_561 : vector<1x16xf32> to vector<16xf32>
      %add3A_563 = arith.addf %add3A_539, %get3A_562 : vector<16xf32>
      %get3A_564 = arith.constant 18 : i32
      %get3A_565 = arith.index_cast %get3A_564 : i32 to index
      %get3A_566 = arith.constant 16 : index
      %get3A_567 = tpu.vector_load %arg9[%get3A_565, %get3A_566] {strides = array<i32>} : memref<40x64xf32, #tpu.memory_space<vmem>>, vector<1x16xf32>,
      %get3A_568 = vector.shape_cast %get3A_567 : vector<1x16xf32> to vector<16xf32>
      %add3A_569 = arith.addf %add3A_545, %get3A_568 : vector<16xf32>
      %get3A_570 = arith.constant 18 : i32
      %get3A_571 = arith.index_cast %get3A_570 : i32 to index
      %get3A_572 = arith.constant 32 : index
      %get3A_573 = tpu.vector_load %arg9[%get3A_571, %get3A_572] {strides = array<i32>} : memref<40x64xf32, #tpu.memory_space<vmem>>, vector<1x16xf32>,
      %get3A_574 = vector.shape_cast %get3A_573 : vector<1x16xf32> to vector<16xf32>
      %add3A_575 = arith.addf %add3A_551, %get3A_574 : vector<16xf32>
      %get3A_576 = arith.constant 18 : i32
      %get3A_577 = arith.index_cast %get3A_576 : i32 to index
      %get3A_578 = arith.constant 48 : index
      %get3A_579 = tpu.vector_load %arg9[%get3A_577, %get3A_578] {strides = array<i32>} : memref<40x64xf32, #tpu.memory_space<vmem>>, vector<1x16xf32>,
      %get3A_580 = vector.shape_cast %get3A_579 : vector<1x16xf32> to vector<16xf32>
      %add3A_581 = arith.addf %add3A_557, %get3A_580 : vector<16xf32>
      %get3A_582 = arith.constant 19 : i32
      %get3A_583 = arith.index_cast %get3A_582 : i32 to index
      %get3A_584 = arith.constant 0 : index
      %get3A_585 = tpu.vector_load %arg9[%get3A_583, %get3A_584] {strides = array<i32>} : memref<40x64xf32, #tpu.memory_space<vmem>>, vector<1x16xf32>,
      %get3A_586 = vector.shape_cast %get3A_585 : vector<1x16xf32> to vector<16xf32>
      %add3A_587 = arith.addf %add3A_563, %get3A_586 : vector<16xf32>
      %get3A_588 = arith.constant 19 : i32
      %get3A_589 = arith.index_cast %get3A_588 : i32 to index
      %get3A_590 = arith.constant 16 : index
      %get3A_591 = tpu.vector_load %arg9[%get3A_589, %get3A_590] {strides = array<i32>} : memref<40x64xf32, #tpu.memory_space<vmem>>, vector<1x16xf32>,
      %get3A_592 = vector.shape_cast %get3A_591 : vector<1x16xf32> to vector<16xf32>
      %add3A_593 = arith.addf %add3A_569, %get3A_592 : vector<16xf32>
      %get3A_594 = arith.constant 19 : i32
      %get3A_595 = arith.index_cast %get3A_594 : i32 to index
      %get3A_596 = arith.constant 32 : index
      %get3A_597 = tpu.vector_load %arg9[%get3A_595, %get3A_596] {strides = array<i32>} : memref<40x64xf32, #tpu.memory_space<vmem>>, vector<1x16xf32>,
      %get3A_598 = vector.shape_cast %get3A_597 : vector<1x16xf32> to vector<16xf32>
      %add3A_599 = arith.addf %add3A_575, %get3A_598 : vector<16xf32>
      %get3A_600 = arith.constant 19 : i32
      %get3A_601 = arith.index_cast %get3A_600 : i32 to index
      %get3A_602 = arith.constant 48 : index
      %get3A_603 = tpu.vector_load %arg9[%get3A_601, %get3A_602] {strides = array<i32>} : memref<40x64xf32, #tpu.memory_space<vmem>>, vector<1x16xf32>,
      %get3A_604 = vector.shape_cast %get3A_603 : vector<1x16xf32> to vector<16xf32>
      %add3A_605 = arith.addf %add3A_581, %get3A_604 : vector<16xf32>
      %broadcast_in_dim3A_606 = arith.constant 0.000000e+00 : f32
      %broadcast_in_dim3A_607 = vector.broadcast %broadcast_in_dim3A_606 : f32 to vector<16xf32>
      %broadcast_in_dim3A_608 = arith.constant 0.000000e+00 : f32
      %broadcast_in_dim3A_609 = vector.broadcast %broadcast_in_dim3A_608 : f32 to vector<16xf32>
      %broadcast_in_dim3A_610 = arith.constant 0.000000e+00 : f32
      %broadcast_in_dim3A_611 = vector.broadcast %broadcast_in_dim3A_610 : f32 to vector<16xf32>
      %broadcast_in_dim3A_612 = arith.constant 0.000000e+00 : f32
      %broadcast_in_dim3A_613 = vector.broadcast %broadcast_in_dim3A_612 : f32 to vector<16xf32>
      %scan3A_614 = arith.constant 0 : i32
      %scan3A_615 = arith.constant 25 : i32
      %scan3A_616 = arith.addi %scan3A_614, %scan3A_615 : i32
      %scan3A_617 = arith.constant 1 : i32
      %scan3A_618:4 = scf.for %scan3A_1209 = %scan3A_614 to %scan3A_616 step %scan3A_617 iter_args(%scan3A_1210 = %broadcast_in_dim3A_607, %scan3A_1211 = %broadcast_in_dim3A_609, %scan3A_1212 = %broadcast_in_dim3A_611, %scan3A_1213 = %broadcast_in_dim3A_613) -> (vector<16xf32>, vector<16xf32>, vector<16xf32>, vector<16xf32>)  : i32 {
        %mul3A_1214 = arith.constant 8 : i32
        %mul3A_1215 = arith.muli %scan3A_1209, %mul3A_1214 : i32
        %add3A_1216 = arith.constant 0 : i32
        %add3A_1217 = arith.addi %add3A_1216, %mul3A_1215 : i32
        %add3A_1218 = arith.constant 0 : i32
        %add3A_1219 = arith.addi %add3A_1217, %add3A_1218 : i32
        %get3A_1220 = arith.index_cast %add3A_1219 : i32 to index
        %get3A_1221 = arith.constant 0 : index
        %get3A_1222 = tpu.vector_load %arg10[%get3A_1220, %get3A_1221] {strides = array<i32>} : memref<400x64xf32, #tpu.memory_space<vmem>>, vector<1x16xf32>,
        %get3A_1223 = vector.shape_cast %get3A_1222 : vector<1x16xf32> to vector<16xf32>
        %add3A_1224 = arith.addf %scan3A_1210, %get3A_1223 : vector<16xf32>
        %get3A_1225 = arith.index_cast %add3A_1219 : i32 to index
        %get3A_1226 = arith.constant 16 : index
        %get3A_1227 = tpu.vector_load %arg10[%get3A_1225, %get3A_1226] {strides = array<i32>} : memref<400x64xf32, #tpu.memory_space<vmem>>, vector<1x16xf32>,
        %get3A_1228 = vector.shape_cast %get3A_1227 : vector<1x16xf32> to vector<16xf32>
        %add3A_1229 = arith.addf %scan3A_1211, %get3A_1228 : vector<16xf32>
        %get3A_1230 = arith.index_cast %add3A_1219 : i32 to index
        %get3A_1231 = arith.constant 32 : index
        %get3A_1232 = tpu.vector_load %arg10[%get3A_1230, %get3A_1231] {strides = array<i32>} : memref<400x64xf32, #tpu.memory_space<vmem>>, vector<1x16xf32>,
        %get3A_1233 = vector.shape_cast %get3A_1232 : vector<1x16xf32> to vector<16xf32>
        %add3A_1234 = arith.addf %scan3A_1212, %get3A_1233 : vector<16xf32>
        %get3A_1235 = arith.index_cast %add3A_1219 : i32 to index
        %get3A_1236 = arith.constant 48 : index
        %get3A_1237 = tpu.vector_load %arg10[%get3A_1235, %get3A_1236] {strides = array<i32>} : memref<400x64xf32, #tpu.memory_space<vmem>>, vector<1x16xf32>,
        %get3A_1238 = vector.shape_cast %get3A_1237 : vector<1x16xf32> to vector<16xf32>
        %add3A_1239 = arith.addf %scan3A_1213, %get3A_1238 : vector<16xf32>
        %mul3A_1240 = arith.constant 8 : i32
        %mul3A_1241 = arith.muli %scan3A_1209, %mul3A_1240 : i32
        %add3A_1242 = arith.constant 0 : i32
        %add3A_1243 = arith.addi %add3A_1242, %mul3A_1241 : i32
        %add3A_1244 = arith.constant 1 : i32
        %add3A_1245 = arith.addi %add3A_1243, %add3A_1244 : i32
        %get3A_1246 = arith.index_cast %add3A_1245 : i32 to index
        %get3A_1247 = arith.constant 0 : index
        %get3A_1248 = tpu.vector_load %arg10[%get3A_1246, %get3A_1247] {strides = array<i32>} : memref<400x64xf32, #tpu.memory_space<vmem>>, vector<1x16xf32>,
        %get3A_1249 = vector.shape_cast %get3A_1248 : vector<1x16xf32> to vector<16xf32>
        %add3A_1250 = arith.addf %add3A_1224, %get3A_1249 : vector<16xf32>
        %get3A_1251 = arith.index_cast %add3A_1245 : i32 to index
        %get3A_1252 = arith.constant 16 : index
        %get3A_1253 = tpu.vector_load %arg10[%get3A_1251, %get3A_1252] {strides = array<i32>} : memref<400x64xf32, #tpu.memory_space<vmem>>, vector<1x16xf32>,
        %get3A_1254 = vector.shape_cast %get3A_1253 : vector<1x16xf32> to vector<16xf32>
        %add3A_1255 = arith.addf %add3A_1229, %get3A_1254 : vector<16xf32>
        %get3A_1256 = arith.index_cast %add3A_1245 : i32 to index
        %get3A_1257 = arith.constant 32 : index
        %get3A_1258 = tpu.vector_load %arg10[%get3A_1256, %get3A_1257] {strides = array<i32>} : memref<400x64xf32, #tpu.memory_space<vmem>>, vector<1x16xf32>,
        %get3A_1259 = vector.shape_cast %get3A_1258 : vector<1x16xf32> to vector<16xf32>
        %add3A_1260 = arith.addf %add3A_1234, %get3A_1259 : vector<16xf32>
        %get3A_1261 = arith.index_cast %add3A_1245 : i32 to index
        %get3A_1262 = arith.constant 48 : index
        %get3A_1263 = tpu.vector_load %arg10[%get3A_1261, %get3A_1262] {strides = array<i32>} : memref<400x64xf32, #tpu.memory_space<vmem>>, vector<1x16xf32>,
        %get3A_1264 = vector.shape_cast %get3A_1263 : vector<1x16xf32> to vector<16xf32>
        %add3A_1265 = arith.addf %add3A_1239, %get3A_1264 : vector<16xf32>
        %mul3A_1266 = arith.constant 8 : i32
        %mul3A_1267 = arith.muli %scan3A_1209, %mul3A_1266 : i32
        %add3A_1268 = arith.constant 0 : i32
        %add3A_1269 = arith.addi %add3A_1268, %mul3A_1267 : i32
        %add3A_1270 = arith.constant 2 : i32
        %add3A_1271 = arith.addi %add3A_1269, %add3A_1270 : i32
        %get3A_1272 = arith.index_cast %add3A_1271 : i32 to index
        %get3A_1273 = arith.constant 0 : index
        %get3A_1274 = tpu.vector_load %arg10[%get3A_1272, %get3A_1273] {strides = array<i32>} : memref<400x64xf32, #tpu.memory_space<vmem>>, vector<1x16xf32>,
        %get3A_1275 = vector.shape_cast %get3A_1274 : vector<1x16xf32> to vector<16xf32>
        %add3A_1276 = arith.addf %add3A_1250, %get3A_1275 : vector<16xf32>
        %get3A_1277 = arith.index_cast %add3A_1271 : i32 to index
        %get3A_1278 = arith.constant 16 : index
        %get3A_1279 = tpu.vector_load %arg10[%get3A_1277, %get3A_1278] {strides = array<i32>} : memref<400x64xf32, #tpu.memory_space<vmem>>, vector<1x16xf32>,
        %get3A_1280 = vector.shape_cast %get3A_1279 : vector<1x16xf32> to vector<16xf32>
        %add3A_1281 = arith.addf %add3A_1255, %get3A_1280 : vector<16xf32>
        %get3A_1282 = arith.index_cast %add3A_1271 : i32 to index
        %get3A_1283 = arith.constant 32 : index
        %get3A_1284 = tpu.vector_load %arg10[%get3A_1282, %get3A_1283] {strides = array<i32>} : memref<400x64xf32, #tpu.memory_space<vmem>>, vector<1x16xf32>,
        %get3A_1285 = vector.shape_cast %get3A_1284 : vector<1x16xf32> to vector<16xf32>
        %add3A_1286 = arith.addf %add3A_1260, %get3A_1285 : vector<16xf32>
        %get3A_1287 = arith.index_cast %add3A_1271 : i32 to index
        %get3A_1288 = arith.constant 48 : index
        %get3A_1289 = tpu.vector_load %arg10[%get3A_1287, %get3A_1288] {strides = array<i32>} : memref<400x64xf32, #tpu.memory_space<vmem>>, vector<1x16xf32>,
        %get3A_1290 = vector.shape_cast %get3A_1289 : vector<1x16xf32> to vector<16xf32>
        %add3A_1291 = arith.addf %add3A_1265, %get3A_1290 : vector<16xf32>
        %mul3A_1292 = arith.constant 8 : i32
        %mul3A_1293 = arith.muli %scan3A_1209, %mul3A_1292 : i32
        %add3A_1294 = arith.constant 0 : i32
        %add3A_1295 = arith.addi %add3A_1294, %mul3A_1293 : i32
        %add3A_1296 = arith.constant 3 : i32
        %add3A_1297 = arith.addi %add3A_1295, %add3A_1296 : i32
        %get3A_1298 = arith.index_cast %add3A_1297 : i32 to index
        %get3A_1299 = arith.constant 0 : index
        %get3A_1300 = tpu.vector_load %arg10[%get3A_1298, %get3A_1299] {strides = array<i32>} : memref<400x64xf32, #tpu.memory_space<vmem>>, vector<1x16xf32>,
        %get3A_1301 = vector.shape_cast %get3A_1300 : vector<1x16xf32> to vector<16xf32>
        %add3A_1302 = arith.addf %add3A_1276, %get3A_1301 : vector<16xf32>
        %get3A_1303 = arith.index_cast %add3A_1297 : i32 to index
        %get3A_1304 = arith.constant 16 : index
        %get3A_1305 = tpu.vector_load %arg10[%get3A_1303, %get3A_1304] {strides = array<i32>} : memref<400x64xf32, #tpu.memory_space<vmem>>, vector<1x16xf32>,
        %get3A_1306 = vector.shape_cast %get3A_1305 : vector<1x16xf32> to vector<16xf32>
        %add3A_1307 = arith.addf %add3A_1281, %get3A_1306 : vector<16xf32>
        %get3A_1308 = arith.index_cast %add3A_1297 : i32 to index
        %get3A_1309 = arith.constant 32 : index
        %get3A_1310 = tpu.vector_load %arg10[%get3A_1308, %get3A_1309] {strides = array<i32>} : memref<400x64xf32, #tpu.memory_space<vmem>>, vector<1x16xf32>,
        %get3A_1311 = vector.shape_cast %get3A_1310 : vector<1x16xf32> to vector<16xf32>
        %add3A_1312 = arith.addf %add3A_1286, %get3A_1311 : vector<16xf32>
        %get3A_1313 = arith.index_cast %add3A_1297 : i32 to index
        %get3A_1314 = arith.constant 48 : index
        %get3A_1315 = tpu.vector_load %arg10[%get3A_1313, %get3A_1314] {strides = array<i32>} : memref<400x64xf32, #tpu.memory_space<vmem>>, vector<1x16xf32>,
        %get3A_1316 = vector.shape_cast %get3A_1315 : vector<1x16xf32> to vector<16xf32>
        %add3A_1317 = arith.addf %add3A_1291, %get3A_1316 : vector<16xf32>
        %mul3A_1318 = arith.constant 8 : i32
        %mul3A_1319 = arith.muli %scan3A_1209, %mul3A_1318 : i32
        %add3A_1320 = arith.constant 0 : i32
        %add3A_1321 = arith.addi %add3A_1320, %mul3A_1319 : i32
        %add3A_1322 = arith.constant 4 : i32
        %add3A_1323 = arith.addi %add3A_1321, %add3A_1322 : i32
        %get3A_1324 = arith.index_cast %add3A_1323 : i32 to index
        %get3A_1325 = arith.constant 0 : index
        %get3A_1326 = tpu.vector_load %arg10[%get3A_1324, %get3A_1325] {strides = array<i32>} : memref<400x64xf32, #tpu.memory_space<vmem>>, vector<1x16xf32>,
        %get3A_1327 = vector.shape_cast %get3A_1326 : vector<1x16xf32> to vector<16xf32>
        %add3A_1328 = arith.addf %add3A_1302, %get3A_1327 : vector<16xf32>
        %get3A_1329 = arith.index_cast %add3A_1323 : i32 to index
        %get3A_1330 = arith.constant 16 : index
        %get3A_1331 = tpu.vector_load %arg10[%get3A_1329, %get3A_1330] {strides = array<i32>} : memref<400x64xf32, #tpu.memory_space<vmem>>, vector<1x16xf32>,
        %get3A_1332 = vector.shape_cast %get3A_1331 : vector<1x16xf32> to vector<16xf32>
        %add3A_1333 = arith.addf %add3A_1307, %get3A_1332 : vector<16xf32>
        %get3A_1334 = arith.index_cast %add3A_1323 : i32 to index
        %get3A_1335 = arith.constant 32 : index
        %get3A_1336 = tpu.vector_load %arg10[%get3A_1334, %get3A_1335] {strides = array<i32>} : memref<400x64xf32, #tpu.memory_space<vmem>>, vector<1x16xf32>,
        %get3A_1337 = vector.shape_cast %get3A_1336 : vector<1x16xf32> to vector<16xf32>
        %add3A_1338 = arith.addf %add3A_1312, %get3A_1337 : vector<16xf32>
        %get3A_1339 = arith.index_cast %add3A_1323 : i32 to index
        %get3A_1340 = arith.constant 48 : index
        %get3A_1341 = tpu.vector_load %arg10[%get3A_1339, %get3A_1340] {strides = array<i32>} : memref<400x64xf32, #tpu.memory_space<vmem>>, vector<1x16xf32>,
        %get3A_1342 = vector.shape_cast %get3A_1341 : vector<1x16xf32> to vector<16xf32>
        %add3A_1343 = arith.addf %add3A_1317, %get3A_1342 : vector<16xf32>
        %mul3A_1344 = arith.constant 8 : i32
        %mul3A_1345 = arith.muli %scan3A_1209, %mul3A_1344 : i32
        %add3A_1346 = arith.constant 0 : i32
        %add3A_1347 = arith.addi %add3A_1346, %mul3A_1345 : i32
        %add3A_1348 = arith.constant 5 : i32
        %add3A_1349 = arith.addi %add3A_1347, %add3A_1348 : i32
        %get3A_1350 = arith.index_cast %add3A_1349 : i32 to index
        %get3A_1351 = arith.constant 0 : index
        %get3A_1352 = tpu.vector_load %arg10[%get3A_1350, %get3A_1351] {strides = array<i32>} : memref<400x64xf32, #tpu.memory_space<vmem>>, vector<1x16xf32>,
        %get3A_1353 = vector.shape_cast %get3A_1352 : vector<1x16xf32> to vector<16xf32>
        %add3A_1354 = arith.addf %add3A_1328, %get3A_1353 : vector<16xf32>
        %get3A_1355 = arith.index_cast %add3A_1349 : i32 to index
        %get3A_1356 = arith.constant 16 : index
        %get3A_1357 = tpu.vector_load %arg10[%get3A_1355, %get3A_1356] {strides = array<i32>} : memref<400x64xf32, #tpu.memory_space<vmem>>, vector<1x16xf32>,
        %get3A_1358 = vector.shape_cast %get3A_1357 : vector<1x16xf32> to vector<16xf32>
        %add3A_1359 = arith.addf %add3A_1333, %get3A_1358 : vector<16xf32>
        %get3A_1360 = arith.index_cast %add3A_1349 : i32 to index
        %get3A_1361 = arith.constant 32 : index
        %get3A_1362 = tpu.vector_load %arg10[%get3A_1360, %get3A_1361] {strides = array<i32>} : memref<400x64xf32, #tpu.memory_space<vmem>>, vector<1x16xf32>,
        %get3A_1363 = vector.shape_cast %get3A_1362 : vector<1x16xf32> to vector<16xf32>
        %add3A_1364 = arith.addf %add3A_1338, %get3A_1363 : vector<16xf32>
        %get3A_1365 = arith.index_cast %add3A_1349 : i32 to index
        %get3A_1366 = arith.constant 48 : index
        %get3A_1367 = tpu.vector_load %arg10[%get3A_1365, %get3A_1366] {strides = array<i32>} : memref<400x64xf32, #tpu.memory_space<vmem>>, vector<1x16xf32>,
        %get3A_1368 = vector.shape_cast %get3A_1367 : vector<1x16xf32> to vector<16xf32>
        %add3A_1369 = arith.addf %add3A_1343, %get3A_1368 : vector<16xf32>
        %mul3A_1370 = arith.constant 8 : i32
        %mul3A_1371 = arith.muli %scan3A_1209, %mul3A_1370 : i32
        %add3A_1372 = arith.constant 0 : i32
        %add3A_1373 = arith.addi %add3A_1372, %mul3A_1371 : i32
        %add3A_1374 = arith.constant 6 : i32
        %add3A_1375 = arith.addi %add3A_1373, %add3A_1374 : i32
        %get3A_1376 = arith.index_cast %add3A_1375 : i32 to index
        %get3A_1377 = arith.constant 0 : index
        %get3A_1378 = tpu.vector_load %arg10[%get3A_1376, %get3A_1377] {strides = array<i32>} : memref<400x64xf32, #tpu.memory_space<vmem>>, vector<1x16xf32>,
        %get3A_1379 = vector.shape_cast %get3A_1378 : vector<1x16xf32> to vector<16xf32>
        %add3A_1380 = arith.addf %add3A_1354, %get3A_1379 : vector<16xf32>
        %get3A_1381 = arith.index_cast %add3A_1375 : i32 to index
        %get3A_1382 = arith.constant 16 : index
        %get3A_1383 = tpu.vector_load %arg10[%get3A_1381, %get3A_1382] {strides = array<i32>} : memref<400x64xf32, #tpu.memory_space<vmem>>, vector<1x16xf32>,
        %get3A_1384 = vector.shape_cast %get3A_1383 : vector<1x16xf32> to vector<16xf32>
        %add3A_1385 = arith.addf %add3A_1359, %get3A_1384 : vector<16xf32>
        %get3A_1386 = arith.index_cast %add3A_1375 : i32 to index
        %get3A_1387 = arith.constant 32 : index
        %get3A_1388 = tpu.vector_load %arg10[%get3A_1386, %get3A_1387] {strides = array<i32>} : memref<400x64xf32, #tpu.memory_space<vmem>>, vector<1x16xf32>,
        %get3A_1389 = vector.shape_cast %get3A_1388 : vector<1x16xf32> to vector<16xf32>
        %add3A_1390 = arith.addf %add3A_1364, %get3A_1389 : vector<16xf32>
        %get3A_1391 = arith.index_cast %add3A_1375 : i32 to index
        %get3A_1392 = arith.constant 48 : index
        %get3A_1393 = tpu.vector_load %arg10[%get3A_1391, %get3A_1392] {strides = array<i32>} : memref<400x64xf32, #tpu.memory_space<vmem>>, vector<1x16xf32>,
        %get3A_1394 = vector.shape_cast %get3A_1393 : vector<1x16xf32> to vector<16xf32>
        %add3A_1395 = arith.addf %add3A_1369, %get3A_1394 : vector<16xf32>
        %mul3A_1396 = arith.constant 8 : i32
        %mul3A_1397 = arith.muli %scan3A_1209, %mul3A_1396 : i32
        %add3A_1398 = arith.constant 0 : i32
        %add3A_1399 = arith.addi %add3A_1398, %mul3A_1397 : i32
        %add3A_1400 = arith.constant 7 : i32
        %add3A_1401 = arith.addi %add3A_1399, %add3A_1400 : i32
        %get3A_1402 = arith.index_cast %add3A_1401 : i32 to index
        %get3A_1403 = arith.constant 0 : index
        %get3A_1404 = tpu.vector_load %arg10[%get3A_1402, %get3A_1403] {strides = array<i32>} : memref<400x64xf32, #tpu.memory_space<vmem>>, vector<1x16xf32>,
        %get3A_1405 = vector.shape_cast %get3A_1404 : vector<1x16xf32> to vector<16xf32>
        %add3A_1406 = arith.addf %add3A_1380, %get3A_1405 : vector<16xf32>
        %get3A_1407 = arith.index_cast %add3A_1401 : i32 to index
        %get3A_1408 = arith.constant 16 : index
        %get3A_1409 = tpu.vector_load %arg10[%get3A_1407, %get3A_1408] {strides = array<i32>} : memref<400x64xf32, #tpu.memory_space<vmem>>, vector<1x16xf32>,
        %get3A_1410 = vector.shape_cast %get3A_1409 : vector<1x16xf32> to vector<16xf32>
        %add3A_1411 = arith.addf %add3A_1385, %get3A_1410 : vector<16xf32>
        %get3A_1412 = arith.index_cast %add3A_1401 : i32 to index
        %get3A_1413 = arith.constant 32 : index
        %get3A_1414 = tpu.vector_load %arg10[%get3A_1412, %get3A_1413] {strides = array<i32>} : memref<400x64xf32, #tpu.memory_space<vmem>>, vector<1x16xf32>,
        %get3A_1415 = vector.shape_cast %get3A_1414 : vector<1x16xf32> to vector<16xf32>
        %add3A_1416 = arith.addf %add3A_1390, %get3A_1415 : vector<16xf32>
        %get3A_1417 = arith.index_cast %add3A_1401 : i32 to index
        %get3A_1418 = arith.constant 48 : index
        %get3A_1419 = tpu.vector_load %arg10[%get3A_1417, %get3A_1418] {strides = array<i32>} : memref<400x64xf32, #tpu.memory_space<vmem>>, vector<1x16xf32>,
        %get3A_1420 = vector.shape_cast %get3A_1419 : vector<1x16xf32> to vector<16xf32>
        %add3A_1421 = arith.addf %add3A_1395, %get3A_1420 : vector<16xf32>
        scf.yield %add3A_1406, %add3A_1411, %add3A_1416, %add3A_1421 : vector<16xf32>, vector<16xf32>, vector<16xf32>, vector<16xf32>
      }
      %scan3A_619 = arith.constant 25 : i32
      %mul3A_620 = arith.constant 2 : i32
      %mul3A_621 = arith.muli %mul3A_620, %scan3A_16 : i32
      %add3A_622 = arith.constant 0 : i32
      %add3A_623 = arith.addi %mul3A_621, %add3A_622 : i32
      %swap3A = arith.index_cast %add3A_623 : i32 to index
      %swap3A_624 = arith.constant 0 : index
      %swap3A_625 = tpu.vector_load %arg11[%swap3A, %swap3A_624] {strides = array<i32>} : memref<128x64xf32, #tpu.memory_space<vmem>>, vector<1x16xf32>,
      %swap3A_626 = vector.shape_cast %swap3A_625 : vector<1x16xf32> to vector<16xf32>
      %swap3A_627 = vector.shape_cast %add3A_587 : vector<16xf32> to vector<1x16xf32>
      tpu.vector_store %arg11[%swap3A, %swap3A_624], %swap3A_627 {strides = array<i32>} : memref<128x64xf32, #tpu.memory_space<vmem>>, vector<1x16xf32>,
      %swap3A_628 = arith.index_cast %add3A_623 : i32 to index
      %swap3A_629 = arith.constant 0 : index
      %swap3A_630 = tpu.vector_load %arg12[%swap3A_628, %swap3A_629] {strides = array<i32>} : memref<128x64xf32, #tpu.memory_space<vmem>>, vector<1x16xf32>,
      %swap3A_631 = vector.shape_cast %swap3A_630 : vector<1x16xf32> to vector<16xf32>
      %swap3A_632 = vector.shape_cast %scan3A_618#0 : vector<16xf32> to vector<1x16xf32>
      tpu.vector_store %arg12[%swap3A_628, %swap3A_629], %swap3A_632 {strides = array<i32>} : memref<128x64xf32, #tpu.memory_space<vmem>>, vector<1x16xf32>,
      %swap3A_633 = arith.index_cast %add3A_623 : i32 to index
      %swap3A_634 = arith.constant 16 : index
      %swap3A_635 = tpu.vector_load %arg11[%swap3A_633, %swap3A_634] {strides = array<i32>} : memref<128x64xf32, #tpu.memory_space<vmem>>, vector<1x16xf32>,
      %swap3A_636 = vector.shape_cast %swap3A_635 : vector<1x16xf32> to vector<16xf32>
      %swap3A_637 = vector.shape_cast %add3A_593 : vector<16xf32> to vector<1x16xf32>
      tpu.vector_store %arg11[%swap3A_633, %swap3A_634], %swap3A_637 {strides = array<i32>} : memref<128x64xf32, #tpu.memory_space<vmem>>, vector<1x16xf32>,
      %swap3A_638 = arith.index_cast %add3A_623 : i32 to index
      %swap3A_639 = arith.constant 16 : index
      %swap3A_640 = tpu.vector_load %arg12[%swap3A_638, %swap3A_639] {strides = array<i32>} : memref<128x64xf32, #tpu.memory_space<vmem>>, vector<1x16xf32>,
      %swap3A_641 = vector.shape_cast %swap3A_640 : vector<1x16xf32> to vector<16xf32>
      %swap3A_642 = vector.shape_cast %scan3A_618#1 : vector<16xf32> to vector<1x16xf32>
      tpu.vector_store %arg12[%swap3A_638, %swap3A_639], %swap3A_642 {strides = array<i32>} : memref<128x64xf32, #tpu.memory_space<vmem>>, vector<1x16xf32>,
      %swap3A_643 = arith.index_cast %add3A_623 : i32 to index
      %swap3A_644 = arith.constant 32 : index
      %swap3A_645 = tpu.vector_load %arg11[%swap3A_643, %swap3A_644] {strides = array<i32>} : memref<128x64xf32, #tpu.memory_space<vmem>>, vector<1x16xf32>,
      %swap3A_646 = vector.shape_cast %swap3A_645 : vector<1x16xf32> to vector<16xf32>
      %swap3A_647 = vector.shape_cast %add3A_599 : vector<16xf32> to vector<1x16xf32>
      tpu.vector_store %arg11[%swap3A_643, %swap3A_644], %swap3A_647 {strides = array<i32>} : memref<128x64xf32, #tpu.memory_space<vmem>>, vector<1x16xf32>,
      %swap3A_648 = arith.index_cast %add3A_623 : i32 to index
      %swap3A_649 = arith.constant 32 : index
      %swap3A_650 = tpu.vector_load %arg12[%swap3A_648, %swap3A_649] {strides = array<i32>} : memref<128x64xf32, #tpu.memory_space<vmem>>, vector<1x16xf32>,
      %swap3A_651 = vector.shape_cast %swap3A_650 : vector<1x16xf32> to vector<16xf32>
      %swap3A_652 = vector.shape_cast %scan3A_618#2 : vector<16xf32> to vector<1x16xf32>
      tpu.vector_store %arg12[%swap3A_648, %swap3A_649], %swap3A_652 {strides = array<i32>} : memref<128x64xf32, #tpu.memory_space<vmem>>, vector<1x16xf32>,
      %swap3A_653 = arith.index_cast %add3A_623 : i32 to index
      %swap3A_654 = arith.constant 48 : index
      %swap3A_655 = tpu.vector_load %arg11[%swap3A_653, %swap3A_654] {strides = array<i32>} : memref<128x64xf32, #tpu.memory_space<vmem>>, vector<1x16xf32>,
      %swap3A_656 = vector.shape_cast %swap3A_655 : vector<1x16xf32> to vector<16xf32>
      %swap3A_657 = vector.shape_cast %add3A_605 : vector<16xf32> to vector<1x16xf32>
      tpu.vector_store %arg11[%swap3A_653, %swap3A_654], %swap3A_657 {strides = array<i32>} : memref<128x64xf32, #tpu.memory_space<vmem>>, vector<1x16xf32>,
      %swap3A_658 = arith.index_cast %add3A_623 : i32 to index
      %swap3A_659 = arith.constant 48 : index
      %swap3A_660 = tpu.vector_load %arg12[%swap3A_658, %swap3A_659] {strides = array<i32>} : memref<128x64xf32, #tpu.memory_space<vmem>>, vector<1x16xf32>,
      %swap3A_661 = vector.shape_cast %swap3A_660 : vector<1x16xf32> to vector<16xf32>
      %swap3A_662 = vector.shape_cast %scan3A_618#3 : vector<16xf32> to vector<1x16xf32>
      tpu.vector_store %arg12[%swap3A_658, %swap3A_659], %swap3A_662 {strides = array<i32>} : memref<128x64xf32, #tpu.memory_space<vmem>>, vector<1x16xf32>,
      %broadcast_in_dim3A_663 = arith.constant 0.000000e+00 : f32
      %broadcast_in_dim3A_664 = vector.broadcast %broadcast_in_dim3A_663 : f32 to vector<16xf32>
      %broadcast_in_dim3A_665 = arith.constant 0.000000e+00 : f32
      %broadcast_in_dim3A_666 = vector.broadcast %broadcast_in_dim3A_665 : f32 to vector<16xf32>
      %broadcast_in_dim3A_667 = arith.constant 0.000000e+00 : f32
      %broadcast_in_dim3A_668 = vector.broadcast %broadcast_in_dim3A_667 : f32 to vector<16xf32>
      %broadcast_in_dim3A_669 = arith.constant 0.000000e+00 : f32
      %broadcast_in_dim3A_670 = vector.broadcast %broadcast_in_dim3A_669 : f32 to vector<16xf32>
      %get3A_671 = arith.constant 20 : i32
      %get3A_672 = arith.index_cast %get3A_671 : i32 to index
      %get3A_673 = arith.constant 0 : index
      %get3A_674 = tpu.vector_load %arg9[%get3A_672, %get3A_673] {strides = array<i32>} : memref<40x64xf32, #tpu.memory_space<vmem>>, vector<1x16xf32>,
      %get3A_675 = vector.shape_cast %get3A_674 : vector<1x16xf32> to vector<16xf32>
      %add3A_676 = arith.addf %broadcast_in_dim3A_664, %get3A_675 : vector<16xf32>
      %get3A_677 = arith.constant 20 : i32
      %get3A_678 = arith.index_cast %get3A_677 : i32 to index
      %get3A_679 = arith.constant 16 : index
      %get3A_680 = tpu.vector_load %arg9[%get3A_678, %get3A_679] {strides = array<i32>} : memref<40x64xf32, #tpu.memory_space<vmem>>, vector<1x16xf32>,
      %get3A_681 = vector.shape_cast %get3A_680 : vector<1x16xf32> to vector<16xf32>
      %add3A_682 = arith.addf %broadcast_in_dim3A_666, %get3A_681 : vector<16xf32>
      %get3A_683 = arith.constant 20 : i32
      %get3A_684 = arith.index_cast %get3A_683 : i32 to index
      %get3A_685 = arith.constant 32 : index
      %get3A_686 = tpu.vector_load %arg9[%get3A_684, %get3A_685] {strides = array<i32>} : memref<40x64xf32, #tpu.memory_space<vmem>>, vector<1x16xf32>,
      %get3A_687 = vector.shape_cast %get3A_686 : vector<1x16xf32> to vector<16xf32>
      %add3A_688 = arith.addf %broadcast_in_dim3A_668, %get3A_687 : vector<16xf32>
      %get3A_689 = arith.constant 20 : i32
      %get3A_690 = arith.index_cast %get3A_689 : i32 to index
      %get3A_691 = arith.constant 48 : index
      %get3A_692 = tpu.vector_load %arg9[%get3A_690, %get3A_691] {strides = array<i32>} : memref<40x64xf32, #tpu.memory_space<vmem>>, vector<1x16xf32>,
      %get3A_693 = vector.shape_cast %get3A_692 : vector<1x16xf32> to vector<16xf32>
      %add3A_694 = arith.addf %broadcast_in_dim3A_670, %get3A_693 : vector<16xf32>
      %get3A_695 = arith.constant 21 : i32
      %get3A_696 = arith.index_cast %get3A_695 : i32 to index
      %get3A_697 = arith.constant 0 : index
      %get3A_698 = tpu.vector_load %arg9[%get3A_696, %get3A_697] {strides = array<i32>} : memref<40x64xf32, #tpu.memory_space<vmem>>, vector<1x16xf32>,
      %get3A_699 = vector.shape_cast %get3A_698 : vector<1x16xf32> to vector<16xf32>
      %add3A_700 = arith.addf %add3A_676, %get3A_699 : vector<16xf32>
      %get3A_701 = arith.constant 21 : i32
      %get3A_702 = arith.index_cast %get3A_701 : i32 to index
      %get3A_703 = arith.constant 16 : index
      %get3A_704 = tpu.vector_load %arg9[%get3A_702, %get3A_703] {strides = array<i32>} : memref<40x64xf32, #tpu.memory_space<vmem>>, vector<1x16xf32>,
      %get3A_705 = vector.shape_cast %get3A_704 : vector<1x16xf32> to vector<16xf32>
      %add3A_706 = arith.addf %add3A_682, %get3A_705 : vector<16xf32>
      %get3A_707 = arith.constant 21 : i32
      %get3A_708 = arith.index_cast %get3A_707 : i32 to index
      %get3A_709 = arith.constant 32 : index
      %get3A_710 = tpu.vector_load %arg9[%get3A_708, %get3A_709] {strides = array<i32>} : memref<40x64xf32, #tpu.memory_space<vmem>>, vector<1x16xf32>,
      %get3A_711 = vector.shape_cast %get3A_710 : vector<1x16xf32> to vector<16xf32>
      %add3A_712 = arith.addf %add3A_688, %get3A_711 : vector<16xf32>
      %get3A_713 = arith.constant 21 : i32
      %get3A_714 = arith.index_cast %get3A_713 : i32 to index
      %get3A_715 = arith.constant 48 : index
      %get3A_716 = tpu.vector_load %arg9[%get3A_714, %get3A_715] {strides = array<i32>} : memref<40x64xf32, #tpu.memory_space<vmem>>, vector<1x16xf32>,
      %get3A_717 = vector.shape_cast %get3A_716 : vector<1x16xf32> to vector<16xf32>
      %add3A_718 = arith.addf %add3A_694, %get3A_717 : vector<16xf32>
      %get3A_719 = arith.constant 22 : i32
      %get3A_720 = arith.index_cast %get3A_719 : i32 to index
      %get3A_721 = arith.constant 0 : index
      %get3A_722 = tpu.vector_load %arg9[%get3A_720, %get3A_721] {strides = array<i32>} : memref<40x64xf32, #tpu.memory_space<vmem>>, vector<1x16xf32>,
      %get3A_723 = vector.shape_cast %get3A_722 : vector<1x16xf32> to vector<16xf32>
      %add3A_724 = arith.addf %add3A_700, %get3A_723 : vector<16xf32>
      %get3A_725 = arith.constant 22 : i32
      %get3A_726 = arith.index_cast %get3A_725 : i32 to index
      %get3A_727 = arith.constant 16 : index
      %get3A_728 = tpu.vector_load %arg9[%get3A_726, %get3A_727] {strides = array<i32>} : memref<40x64xf32, #tpu.memory_space<vmem>>, vector<1x16xf32>,
      %get3A_729 = vector.shape_cast %get3A_728 : vector<1x16xf32> to vector<16xf32>
      %add3A_730 = arith.addf %add3A_706, %get3A_729 : vector<16xf32>
      %get3A_731 = arith.constant 22 : i32
      %get3A_732 = arith.index_cast %get3A_731 : i32 to index
      %get3A_733 = arith.constant 32 : index
      %get3A_734 = tpu.vector_load %arg9[%get3A_732, %get3A_733] {strides = array<i32>} : memref<40x64xf32, #tpu.memory_space<vmem>>, vector<1x16xf32>,
      %get3A_735 = vector.shape_cast %get3A_734 : vector<1x16xf32> to vector<16xf32>
      %add3A_736 = arith.addf %add3A_712, %get3A_735 : vector<16xf32>
      %get3A_737 = arith.constant 22 : i32
      %get3A_738 = arith.index_cast %get3A_737 : i32 to index
      %get3A_739 = arith.constant 48 : index
      %get3A_740 = tpu.vector_load %arg9[%get3A_738, %get3A_739] {strides = array<i32>} : memref<40x64xf32, #tpu.memory_space<vmem>>, vector<1x16xf32>,
      %get3A_741 = vector.shape_cast %get3A_740 : vector<1x16xf32> to vector<16xf32>
      %add3A_742 = arith.addf %add3A_718, %get3A_741 : vector<16xf32>
      %get3A_743 = arith.constant 23 : i32
      %get3A_744 = arith.index_cast %get3A_743 : i32 to index
      %get3A_745 = arith.constant 0 : index
      %get3A_746 = tpu.vector_load %arg9[%get3A_744, %get3A_745] {strides = array<i32>} : memref<40x64xf32, #tpu.memory_space<vmem>>, vector<1x16xf32>,
      %get3A_747 = vector.shape_cast %get3A_746 : vector<1x16xf32> to vector<16xf32>
      %add3A_748 = arith.addf %add3A_724, %get3A_747 : vector<16xf32>
      %get3A_749 = arith.constant 23 : i32
      %get3A_750 = arith.index_cast %get3A_749 : i32 to index
      %get3A_751 = arith.constant 16 : index
      %get3A_752 = tpu.vector_load %arg9[%get3A_750, %get3A_751] {strides = array<i32>} : memref<40x64xf32, #tpu.memory_space<vmem>>, vector<1x16xf32>,
      %get3A_753 = vector.shape_cast %get3A_752 : vector<1x16xf32> to vector<16xf32>
      %add3A_754 = arith.addf %add3A_730, %get3A_753 : vector<16xf32>
      %get3A_755 = arith.constant 23 : i32
      %get3A_756 = arith.index_cast %get3A_755 : i32 to index
      %get3A_757 = arith.constant 32 : index
      %get3A_758 = tpu.vector_load %arg9[%get3A_756, %get3A_757] {strides = array<i32>} : memref<40x64xf32, #tpu.memory_space<vmem>>, vector<1x16xf32>,
      %get3A_759 = vector.shape_cast %get3A_758 : vector<1x16xf32> to vector<16xf32>
      %add3A_760 = arith.addf %add3A_736, %get3A_759 : vector<16xf32>
      %get3A_761 = arith.constant 23 : i32
      %get3A_762 = arith.index_cast %get3A_761 : i32 to index
      %get3A_763 = arith.constant 48 : index
      %get3A_764 = tpu.vector_load %arg9[%get3A_762, %get3A_763] {strides = array<i32>} : memref<40x64xf32, #tpu.memory_space<vmem>>, vector<1x16xf32>,
      %get3A_765 = vector.shape_cast %get3A_764 : vector<1x16xf32> to vector<16xf32>
      %add3A_766 = arith.addf %add3A_742, %get3A_765 : vector<16xf32>
      %get3A_767 = arith.constant 24 : i32
      %get3A_768 = arith.index_cast %get3A_767 : i32 to index
      %get3A_769 = arith.constant 0 : index
      %get3A_770 = tpu.vector_load %arg9[%get3A_768, %get3A_769] {strides = array<i32>} : memref<40x64xf32, #tpu.memory_space<vmem>>, vector<1x16xf32>,
      %get3A_771 = vector.shape_cast %get3A_770 : vector<1x16xf32> to vector<16xf32>
      %add3A_772 = arith.addf %add3A_748, %get3A_771 : vector<16xf32>
      %get3A_773 = arith.constant 24 : i32
      %get3A_774 = arith.index_cast %get3A_773 : i32 to index
      %get3A_775 = arith.constant 16 : index
      %get3A_776 = tpu.vector_load %arg9[%get3A_774, %get3A_775] {strides = array<i32>} : memref<40x64xf32, #tpu.memory_space<vmem>>, vector<1x16xf32>,
      %get3A_777 = vector.shape_cast %get3A_776 : vector<1x16xf32> to vector<16xf32>
      %add3A_778 = arith.addf %add3A_754, %get3A_777 : vector<16xf32>
      %get3A_779 = arith.constant 24 : i32
      %get3A_780 = arith.index_cast %get3A_779 : i32 to index
      %get3A_781 = arith.constant 32 : index
      %get3A_782 = tpu.vector_load %arg9[%get3A_780, %get3A_781] {strides = array<i32>} : memref<40x64xf32, #tpu.memory_space<vmem>>, vector<1x16xf32>,
      %get3A_783 = vector.shape_cast %get3A_782 : vector<1x16xf32> to vector<16xf32>
      %add3A_784 = arith.addf %add3A_760, %get3A_783 : vector<16xf32>
      %get3A_785 = arith.constant 24 : i32
      %get3A_786 = arith.index_cast %get3A_785 : i32 to index
      %get3A_787 = arith.constant 48 : index
      %get3A_788 = tpu.vector_load %arg9[%get3A_786, %get3A_787] {strides = array<i32>} : memref<40x64xf32, #tpu.memory_space<vmem>>, vector<1x16xf32>,
      %get3A_789 = vector.shape_cast %get3A_788 : vector<1x16xf32> to vector<16xf32>
      %add3A_790 = arith.addf %add3A_766, %get3A_789 : vector<16xf32>
      %get3A_791 = arith.constant 25 : i32
      %get3A_792 = arith.index_cast %get3A_791 : i32 to index
      %get3A_793 = arith.constant 0 : index
      %get3A_794 = tpu.vector_load %arg9[%get3A_792, %get3A_793] {strides = array<i32>} : memref<40x64xf32, #tpu.memory_space<vmem>>, vector<1x16xf32>,
      %get3A_795 = vector.shape_cast %get3A_794 : vector<1x16xf32> to vector<16xf32>
      %add3A_796 = arith.addf %add3A_772, %get3A_795 : vector<16xf32>
      %get3A_797 = arith.constant 25 : i32
      %get3A_798 = arith.index_cast %get3A_797 : i32 to index
      %get3A_799 = arith.constant 16 : index
      %get3A_800 = tpu.vector_load %arg9[%get3A_798, %get3A_799] {strides = array<i32>} : memref<40x64xf32, #tpu.memory_space<vmem>>, vector<1x16xf32>,
      %get3A_801 = vector.shape_cast %get3A_800 : vector<1x16xf32> to vector<16xf32>
      %add3A_802 = arith.addf %add3A_778, %get3A_801 : vector<16xf32>
      %get3A_803 = arith.constant 25 : i32
      %get3A_804 = arith.index_cast %get3A_803 : i32 to index
      %get3A_805 = arith.constant 32 : index
      %get3A_806 = tpu.vector_load %arg9[%get3A_804, %get3A_805] {strides = array<i32>} : memref<40x64xf32, #tpu.memory_space<vmem>>, vector<1x16xf32>,
      %get3A_807 = vector.shape_cast %get3A_806 : vector<1x16xf32> to vector<16xf32>
      %add3A_808 = arith.addf %add3A_784, %get3A_807 : vector<16xf32>
      %get3A_809 = arith.constant 25 : i32
      %get3A_810 = arith.index_cast %get3A_809 : i32 to index
      %get3A_811 = arith.constant 48 : index
      %get3A_812 = tpu.vector_load %arg9[%get3A_810, %get3A_811] {strides = array<i32>} : memref<40x64xf32, #tpu.memory_space<vmem>>, vector<1x16xf32>,
      %get3A_813 = vector.shape_cast %get3A_812 : vector<1x16xf32> to vector<16xf32>
      %add3A_814 = arith.addf %add3A_790, %get3A_813 : vector<16xf32>
      %get3A_815 = arith.constant 26 : i32
      %get3A_816 = arith.index_cast %get3A_815 : i32 to index
      %get3A_817 = arith.constant 0 : index
      %get3A_818 = tpu.vector_load %arg9[%get3A_816, %get3A_817] {strides = array<i32>} : memref<40x64xf32, #tpu.memory_space<vmem>>, vector<1x16xf32>,
      %get3A_819 = vector.shape_cast %get3A_818 : vector<1x16xf32> to vector<16xf32>
      %add3A_820 = arith.addf %add3A_796, %get3A_819 : vector<16xf32>
      %get3A_821 = arith.constant 26 : i32
      %get3A_822 = arith.index_cast %get3A_821 : i32 to index
      %get3A_823 = arith.constant 16 : index
      %get3A_824 = tpu.vector_load %arg9[%get3A_822, %get3A_823] {strides = array<i32>} : memref<40x64xf32, #tpu.memory_space<vmem>>, vector<1x16xf32>,
      %get3A_825 = vector.shape_cast %get3A_824 : vector<1x16xf32> to vector<16xf32>
      %add3A_826 = arith.addf %add3A_802, %get3A_825 : vector<16xf32>
      %get3A_827 = arith.constant 26 : i32
      %get3A_828 = arith.index_cast %get3A_827 : i32 to index
      %get3A_829 = arith.constant 32 : index
      %get3A_830 = tpu.vector_load %arg9[%get3A_828, %get3A_829] {strides = array<i32>} : memref<40x64xf32, #tpu.memory_space<vmem>>, vector<1x16xf32>,
      %get3A_831 = vector.shape_cast %get3A_830 : vector<1x16xf32> to vector<16xf32>
      %add3A_832 = arith.addf %add3A_808, %get3A_831 : vector<16xf32>
      %get3A_833 = arith.constant 26 : i32
      %get3A_834 = arith.index_cast %get3A_833 : i32 to index
      %get3A_835 = arith.constant 48 : index
      %get3A_836 = tpu.vector_load %arg9[%get3A_834, %get3A_835] {strides = array<i32>} : memref<40x64xf32, #tpu.memory_space<vmem>>, vector<1x16xf32>,
      %get3A_837 = vector.shape_cast %get3A_836 : vector<1x16xf32> to vector<16xf32>
      %add3A_838 = arith.addf %add3A_814, %get3A_837 : vector<16xf32>
      %get3A_839 = arith.constant 27 : i32
      %get3A_840 = arith.index_cast %get3A_839 : i32 to index
      %get3A_841 = arith.constant 0 : index
      %get3A_842 = tpu.vector_load %arg9[%get3A_840, %get3A_841] {strides = array<i32>} : memref<40x64xf32, #tpu.memory_space<vmem>>, vector<1x16xf32>,
      %get3A_843 = vector.shape_cast %get3A_842 : vector<1x16xf32> to vector<16xf32>
      %add3A_844 = arith.addf %add3A_820, %get3A_843 : vector<16xf32>
      %get3A_845 = arith.constant 27 : i32
      %get3A_846 = arith.index_cast %get3A_845 : i32 to index
      %get3A_847 = arith.constant 16 : index
      %get3A_848 = tpu.vector_load %arg9[%get3A_846, %get3A_847] {strides = array<i32>} : memref<40x64xf32, #tpu.memory_space<vmem>>, vector<1x16xf32>,
      %get3A_849 = vector.shape_cast %get3A_848 : vector<1x16xf32> to vector<16xf32>
      %add3A_850 = arith.addf %add3A_826, %get3A_849 : vector<16xf32>
      %get3A_851 = arith.constant 27 : i32
      %get3A_852 = arith.index_cast %get3A_851 : i32 to index
      %get3A_853 = arith.constant 32 : index
      %get3A_854 = tpu.vector_load %arg9[%get3A_852, %get3A_853] {strides = array<i32>} : memref<40x64xf32, #tpu.memory_space<vmem>>, vector<1x16xf32>,
      %get3A_855 = vector.shape_cast %get3A_854 : vector<1x16xf32> to vector<16xf32>
      %add3A_856 = arith.addf %add3A_832, %get3A_855 : vector<16xf32>
      %get3A_857 = arith.constant 27 : i32
      %get3A_858 = arith.index_cast %get3A_857 : i32 to index
      %get3A_859 = arith.constant 48 : index
      %get3A_860 = tpu.vector_load %arg9[%get3A_858, %get3A_859] {strides = array<i32>} : memref<40x64xf32, #tpu.memory_space<vmem>>, vector<1x16xf32>,
      %get3A_861 = vector.shape_cast %get3A_860 : vector<1x16xf32> to vector<16xf32>
      %add3A_862 = arith.addf %add3A_838, %get3A_861 : vector<16xf32>
      %get3A_863 = arith.constant 28 : i32
      %get3A_864 = arith.index_cast %get3A_863 : i32 to index
      %get3A_865 = arith.constant 0 : index
      %get3A_866 = tpu.vector_load %arg9[%get3A_864, %get3A_865] {strides = array<i32>} : memref<40x64xf32, #tpu.memory_space<vmem>>, vector<1x16xf32>,
      %get3A_867 = vector.shape_cast %get3A_866 : vector<1x16xf32> to vector<16xf32>
      %add3A_868 = arith.addf %add3A_844, %get3A_867 : vector<16xf32>
      %get3A_869 = arith.constant 28 : i32
      %get3A_870 = arith.index_cast %get3A_869 : i32 to index
      %get3A_871 = arith.constant 16 : index
      %get3A_872 = tpu.vector_load %arg9[%get3A_870, %get3A_871] {strides = array<i32>} : memref<40x64xf32, #tpu.memory_space<vmem>>, vector<1x16xf32>,
      %get3A_873 = vector.shape_cast %get3A_872 : vector<1x16xf32> to vector<16xf32>
      %add3A_874 = arith.addf %add3A_850, %get3A_873 : vector<16xf32>
      %get3A_875 = arith.constant 28 : i32
      %get3A_876 = arith.index_cast %get3A_875 : i32 to index
      %get3A_877 = arith.constant 32 : index
      %get3A_878 = tpu.vector_load %arg9[%get3A_876, %get3A_877] {strides = array<i32>} : memref<40x64xf32, #tpu.memory_space<vmem>>, vector<1x16xf32>,
      %get3A_879 = vector.shape_cast %get3A_878 : vector<1x16xf32> to vector<16xf32>
      %add3A_880 = arith.addf %add3A_856, %get3A_879 : vector<16xf32>
      %get3A_881 = arith.constant 28 : i32
      %get3A_882 = arith.index_cast %get3A_881 : i32 to index
      %get3A_883 = arith.constant 48 : index
      %get3A_884 = tpu.vector_load %arg9[%get3A_882, %get3A_883] {strides = array<i32>} : memref<40x64xf32, #tpu.memory_space<vmem>>, vector<1x16xf32>,
      %get3A_885 = vector.shape_cast %get3A_884 : vector<1x16xf32> to vector<16xf32>
      %add3A_886 = arith.addf %add3A_862, %get3A_885 : vector<16xf32>
      %get3A_887 = arith.constant 29 : i32
      %get3A_888 = arith.index_cast %get3A_887 : i32 to index
      %get3A_889 = arith.constant 0 : index
      %get3A_890 = tpu.vector_load %arg9[%get3A_888, %get3A_889] {strides = array<i32>} : memref<40x64xf32, #tpu.memory_space<vmem>>, vector<1x16xf32>,
      %get3A_891 = vector.shape_cast %get3A_890 : vector<1x16xf32> to vector<16xf32>
      %add3A_892 = arith.addf %add3A_868, %get3A_891 : vector<16xf32>
      %get3A_893 = arith.constant 29 : i32
      %get3A_894 = arith.index_cast %get3A_893 : i32 to index
      %get3A_895 = arith.constant 16 : index
      %get3A_896 = tpu.vector_load %arg9[%get3A_894, %get3A_895] {strides = array<i32>} : memref<40x64xf32, #tpu.memory_space<vmem>>, vector<1x16xf32>,
      %get3A_897 = vector.shape_cast %get3A_896 : vector<1x16xf32> to vector<16xf32>
      %add3A_898 = arith.addf %add3A_874, %get3A_897 : vector<16xf32>
      %get3A_899 = arith.constant 29 : i32
      %get3A_900 = arith.index_cast %get3A_899 : i32 to index
      %get3A_901 = arith.constant 32 : index
      %get3A_902 = tpu.vector_load %arg9[%get3A_900, %get3A_901] {strides = array<i32>} : memref<40x64xf32, #tpu.memory_space<vmem>>, vector<1x16xf32>,
      %get3A_903 = vector.shape_cast %get3A_902 : vector<1x16xf32> to vector<16xf32>
      %add3A_904 = arith.addf %add3A_880, %get3A_903 : vector<16xf32>
      %get3A_905 = arith.constant 29 : i32
      %get3A_906 = arith.index_cast %get3A_905 : i32 to index
      %get3A_907 = arith.constant 48 : index
      %get3A_908 = tpu.vector_load %arg9[%get3A_906, %get3A_907] {strides = array<i32>} : memref<40x64xf32, #tpu.memory_space<vmem>>, vector<1x16xf32>,
      %get3A_909 = vector.shape_cast %get3A_908 : vector<1x16xf32> to vector<16xf32>
      %add3A_910 = arith.addf %add3A_886, %get3A_909 : vector<16xf32>
      %get3A_911 = arith.constant 30 : i32
      %get3A_912 = arith.index_cast %get3A_911 : i32 to index
      %get3A_913 = arith.constant 0 : index
      %get3A_914 = tpu.vector_load %arg9[%get3A_912, %get3A_913] {strides = array<i32>} : memref<40x64xf32, #tpu.memory_space<vmem>>, vector<1x16xf32>,
      %get3A_915 = vector.shape_cast %get3A_914 : vector<1x16xf32> to vector<16xf32>
      %add3A_916 = arith.addf %add3A_892, %get3A_915 : vector<16xf32>
      %get3A_917 = arith.constant 30 : i32
      %get3A_918 = arith.index_cast %get3A_917 : i32 to index
      %get3A_919 = arith.constant 16 : index
      %get3A_920 = tpu.vector_load %arg9[%get3A_918, %get3A_919] {strides = array<i32>} : memref<40x64xf32, #tpu.memory_space<vmem>>, vector<1x16xf32>,
      %get3A_921 = vector.shape_cast %get3A_920 : vector<1x16xf32> to vector<16xf32>
      %add3A_922 = arith.addf %add3A_898, %get3A_921 : vector<16xf32>
      %get3A_923 = arith.constant 30 : i32
      %get3A_924 = arith.index_cast %get3A_923 : i32 to index
      %get3A_925 = arith.constant 32 : index
      %get3A_926 = tpu.vector_load %arg9[%get3A_924, %get3A_925] {strides = array<i32>} : memref<40x64xf32, #tpu.memory_space<vmem>>, vector<1x16xf32>,
      %get3A_927 = vector.shape_cast %get3A_926 : vector<1x16xf32> to vector<16xf32>
      %add3A_928 = arith.addf %add3A_904, %get3A_927 : vector<16xf32>
      %get3A_929 = arith.constant 30 : i32
      %get3A_930 = arith.index_cast %get3A_929 : i32 to index
      %get3A_931 = arith.constant 48 : index
      %get3A_932 = tpu.vector_load %arg9[%get3A_930, %get3A_931] {strides = array<i32>} : memref<40x64xf32, #tpu.memory_space<vmem>>, vector<1x16xf32>,
      %get3A_933 = vector.shape_cast %get3A_932 : vector<1x16xf32> to vector<16xf32>
      %add3A_934 = arith.addf %add3A_910, %get3A_933 : vector<16xf32>
      %get3A_935 = arith.constant 31 : i32
      %get3A_936 = arith.index_cast %get3A_935 : i32 to index
      %get3A_937 = arith.constant 0 : index
      %get3A_938 = tpu.vector_load %arg9[%get3A_936, %get3A_937] {strides = array<i32>} : memref<40x64xf32, #tpu.memory_space<vmem>>, vector<1x16xf32>,
      %get3A_939 = vector.shape_cast %get3A_938 : vector<1x16xf32> to vector<16xf32>
      %add3A_940 = arith.addf %add3A_916, %get3A_939 : vector<16xf32>
      %get3A_941 = arith.constant 31 : i32
      %get3A_942 = arith.index_cast %get3A_941 : i32 to index
      %get3A_943 = arith.constant 16 : index
      %get3A_944 = tpu.vector_load %arg9[%get3A_942, %get3A_943] {strides = array<i32>} : memref<40x64xf32, #tpu.memory_space<vmem>>, vector<1x16xf32>,
      %get3A_945 = vector.shape_cast %get3A_944 : vector<1x16xf32> to vector<16xf32>
      %add3A_946 = arith.addf %add3A_922, %get3A_945 : vector<16xf32>
      %get3A_947 = arith.constant 31 : i32
      %get3A_948 = arith.index_cast %get3A_947 : i32 to index
      %get3A_949 = arith.constant 32 : index
      %get3A_950 = tpu.vector_load %arg9[%get3A_948, %get3A_949] {strides = array<i32>} : memref<40x64xf32, #tpu.memory_space<vmem>>, vector<1x16xf32>,
      %get3A_951 = vector.shape_cast %get3A_950 : vector<1x16xf32> to vector<16xf32>
      %add3A_952 = arith.addf %add3A_928, %get3A_951 : vector<16xf32>
      %get3A_953 = arith.constant 31 : i32
      %get3A_954 = arith.index_cast %get3A_953 : i32 to index
      %get3A_955 = arith.constant 48 : index
      %get3A_956 = tpu.vector_load %arg9[%get3A_954, %get3A_955] {strides = array<i32>} : memref<40x64xf32, #tpu.memory_space<vmem>>, vector<1x16xf32>,
      %get3A_957 = vector.shape_cast %get3A_956 : vector<1x16xf32> to vector<16xf32>
      %add3A_958 = arith.addf %add3A_934, %get3A_957 : vector<16xf32>
      %get3A_959 = arith.constant 32 : i32
      %get3A_960 = arith.index_cast %get3A_959 : i32 to index
      %get3A_961 = arith.constant 0 : index
      %get3A_962 = tpu.vector_load %arg9[%get3A_960, %get3A_961] {strides = array<i32>} : memref<40x64xf32, #tpu.memory_space<vmem>>, vector<1x16xf32>,
      %get3A_963 = vector.shape_cast %get3A_962 : vector<1x16xf32> to vector<16xf32>
      %add3A_964 = arith.addf %add3A_940, %get3A_963 : vector<16xf32>
      %get3A_965 = arith.constant 32 : i32
      %get3A_966 = arith.index_cast %get3A_965 : i32 to index
      %get3A_967 = arith.constant 16 : index
      %get3A_968 = tpu.vector_load %arg9[%get3A_966, %get3A_967] {strides = array<i32>} : memref<40x64xf32, #tpu.memory_space<vmem>>, vector<1x16xf32>,
      %get3A_969 = vector.shape_cast %get3A_968 : vector<1x16xf32> to vector<16xf32>
      %add3A_970 = arith.addf %add3A_946, %get3A_969 : vector<16xf32>
      %get3A_971 = arith.constant 32 : i32
      %get3A_972 = arith.index_cast %get3A_971 : i32 to index
      %get3A_973 = arith.constant 32 : index
      %get3A_974 = tpu.vector_load %arg9[%get3A_972, %get3A_973] {strides = array<i32>} : memref<40x64xf32, #tpu.memory_space<vmem>>, vector<1x16xf32>,
      %get3A_975 = vector.shape_cast %get3A_974 : vector<1x16xf32> to vector<16xf32>
      %add3A_976 = arith.addf %add3A_952, %get3A_975 : vector<16xf32>
      %get3A_977 = arith.constant 32 : i32
      %get3A_978 = arith.index_cast %get3A_977 : i32 to index
      %get3A_979 = arith.constant 48 : index
      %get3A_980 = tpu.vector_load %arg9[%get3A_978, %get3A_979] {strides = array<i32>} : memref<40x64xf32, #tpu.memory_space<vmem>>, vector<1x16xf32>,
      %get3A_981 = vector.shape_cast %get3A_980 : vector<1x16xf32> to vector<16xf32>
      %add3A_982 = arith.addf %add3A_958, %get3A_981 : vector<16xf32>
      %get3A_983 = arith.constant 33 : i32
      %get3A_984 = arith.index_cast %get3A_983 : i32 to index
      %get3A_985 = arith.constant 0 : index
      %get3A_986 = tpu.vector_load %arg9[%get3A_984, %get3A_985] {strides = array<i32>} : memref<40x64xf32, #tpu.memory_space<vmem>>, vector<1x16xf32>,
      %get3A_987 = vector.shape_cast %get3A_986 : vector<1x16xf32> to vector<16xf32>
      %add3A_988 = arith.addf %add3A_964, %get3A_987 : vector<16xf32>
      %get3A_989 = arith.constant 33 : i32
      %get3A_990 = arith.index_cast %get3A_989 : i32 to index
      %get3A_991 = arith.constant 16 : index
      %get3A_992 = tpu.vector_load %arg9[%get3A_990, %get3A_991] {strides = array<i32>} : memref<40x64xf32, #tpu.memory_space<vmem>>, vector<1x16xf32>,
      %get3A_993 = vector.shape_cast %get3A_992 : vector<1x16xf32> to vector<16xf32>
      %add3A_994 = arith.addf %add3A_970, %get3A_993 : vector<16xf32>
      %get3A_995 = arith.constant 33 : i32
      %get3A_996 = arith.index_cast %get3A_995 : i32 to index
      %get3A_997 = arith.constant 32 : index
      %get3A_998 = tpu.vector_load %arg9[%get3A_996, %get3A_997] {strides = array<i32>} : memref<40x64xf32, #tpu.memory_space<vmem>>, vector<1x16xf32>,
      %get3A_999 = vector.shape_cast %get3A_998 : vector<1x16xf32> to vector<16xf32>
      %add3A_1000 = arith.addf %add3A_976, %get3A_999 : vector<16xf32>
      %get3A_1001 = arith.constant 33 : i32
      %get3A_1002 = arith.index_cast %get3A_1001 : i32 to index
      %get3A_1003 = arith.constant 48 : index
      %get3A_1004 = tpu.vector_load %arg9[%get3A_1002, %get3A_1003] {strides = array<i32>} : memref<40x64xf32, #tpu.memory_space<vmem>>, vector<1x16xf32>,
      %get3A_1005 = vector.shape_cast %get3A_1004 : vector<1x16xf32> to vector<16xf32>
      %add3A_1006 = arith.addf %add3A_982, %get3A_1005 : vector<16xf32>
      %get3A_1007 = arith.constant 34 : i32
      %get3A_1008 = arith.index_cast %get3A_1007 : i32 to index
      %get3A_1009 = arith.constant 0 : index
      %get3A_1010 = tpu.vector_load %arg9[%get3A_1008, %get3A_1009] {strides = array<i32>} : memref<40x64xf32, #tpu.memory_space<vmem>>, vector<1x16xf32>,
      %get3A_1011 = vector.shape_cast %get3A_1010 : vector<1x16xf32> to vector<16xf32>
      %add3A_1012 = arith.addf %add3A_988, %get3A_1011 : vector<16xf32>
      %get3A_1013 = arith.constant 34 : i32
      %get3A_1014 = arith.index_cast %get3A_1013 : i32 to index
      %get3A_1015 = arith.constant 16 : index
      %get3A_1016 = tpu.vector_load %arg9[%get3A_1014, %get3A_1015] {strides = array<i32>} : memref<40x64xf32, #tpu.memory_space<vmem>>, vector<1x16xf32>,
      %get3A_1017 = vector.shape_cast %get3A_1016 : vector<1x16xf32> to vector<16xf32>
      %add3A_1018 = arith.addf %add3A_994, %get3A_1017 : vector<16xf32>
      %get3A_1019 = arith.constant 34 : i32
      %get3A_1020 = arith.index_cast %get3A_1019 : i32 to index
      %get3A_1021 = arith.constant 32 : index
      %get3A_1022 = tpu.vector_load %arg9[%get3A_1020, %get3A_1021] {strides = array<i32>} : memref<40x64xf32, #tpu.memory_space<vmem>>, vector<1x16xf32>,
      %get3A_1023 = vector.shape_cast %get3A_1022 : vector<1x16xf32> to vector<16xf32>
      %add3A_1024 = arith.addf %add3A_1000, %get3A_1023 : vector<16xf32>
      %get3A_1025 = arith.constant 34 : i32
      %get3A_1026 = arith.index_cast %get3A_1025 : i32 to index
      %get3A_1027 = arith.constant 48 : index
      %get3A_1028 = tpu.vector_load %arg9[%get3A_1026, %get3A_1027] {strides = array<i32>} : memref<40x64xf32, #tpu.memory_space<vmem>>, vector<1x16xf32>,
      %get3A_1029 = vector.shape_cast %get3A_1028 : vector<1x16xf32> to vector<16xf32>
      %add3A_1030 = arith.addf %add3A_1006, %get3A_1029 : vector<16xf32>
      %get3A_1031 = arith.constant 35 : i32
      %get3A_1032 = arith.index_cast %get3A_1031 : i32 to index
      %get3A_1033 = arith.constant 0 : index
      %get3A_1034 = tpu.vector_load %arg9[%get3A_1032, %get3A_1033] {strides = array<i32>} : memref<40x64xf32, #tpu.memory_space<vmem>>, vector<1x16xf32>,
      %get3A_1035 = vector.shape_cast %get3A_1034 : vector<1x16xf32> to vector<16xf32>
      %add3A_1036 = arith.addf %add3A_1012, %get3A_1035 : vector<16xf32>
      %get3A_1037 = arith.constant 35 : i32
      %get3A_1038 = arith.index_cast %get3A_1037 : i32 to index
      %get3A_1039 = arith.constant 16 : index
      %get3A_1040 = tpu.vector_load %arg9[%get3A_1038, %get3A_1039] {strides = array<i32>} : memref<40x64xf32, #tpu.memory_space<vmem>>, vector<1x16xf32>,
      %get3A_1041 = vector.shape_cast %get3A_1040 : vector<1x16xf32> to vector<16xf32>
      %add3A_1042 = arith.addf %add3A_1018, %get3A_1041 : vector<16xf32>
      %get3A_1043 = arith.constant 35 : i32
      %get3A_1044 = arith.index_cast %get3A_1043 : i32 to index
      %get3A_1045 = arith.constant 32 : index
      %get3A_1046 = tpu.vector_load %arg9[%get3A_1044, %get3A_1045] {strides = array<i32>} : memref<40x64xf32, #tpu.memory_space<vmem>>, vector<1x16xf32>,
      %get3A_1047 = vector.shape_cast %get3A_1046 : vector<1x16xf32> to vector<16xf32>
      %add3A_1048 = arith.addf %add3A_1024, %get3A_1047 : vector<16xf32>
      %get3A_1049 = arith.constant 35 : i32
      %get3A_1050 = arith.index_cast %get3A_1049 : i32 to index
      %get3A_1051 = arith.constant 48 : index
      %get3A_1052 = tpu.vector_load %arg9[%get3A_1050, %get3A_1051] {strides = array<i32>} : memref<40x64xf32, #tpu.memory_space<vmem>>, vector<1x16xf32>,
      %get3A_1053 = vector.shape_cast %get3A_1052 : vector<1x16xf32> to vector<16xf32>
      %add3A_1054 = arith.addf %add3A_1030, %get3A_1053 : vector<16xf32>
      %get3A_1055 = arith.constant 36 : i32
      %get3A_1056 = arith.index_cast %get3A_1055 : i32 to index
      %get3A_1057 = arith.constant 0 : index
      %get3A_1058 = tpu.vector_load %arg9[%get3A_1056, %get3A_1057] {strides = array<i32>} : memref<40x64xf32, #tpu.memory_space<vmem>>, vector<1x16xf32>,
      %get3A_1059 = vector.shape_cast %get3A_1058 : vector<1x16xf32> to vector<16xf32>
      %add3A_1060 = arith.addf %add3A_1036, %get3A_1059 : vector<16xf32>
      %get3A_1061 = arith.constant 36 : i32
      %get3A_1062 = arith.index_cast %get3A_1061 : i32 to index
      %get3A_1063 = arith.constant 16 : index
      %get3A_1064 = tpu.vector_load %arg9[%get3A_1062, %get3A_1063] {strides = array<i32>} : memref<40x64xf32, #tpu.memory_space<vmem>>, vector<1x16xf32>,
      %get3A_1065 = vector.shape_cast %get3A_1064 : vector<1x16xf32> to vector<16xf32>
      %add3A_1066 = arith.addf %add3A_1042, %get3A_1065 : vector<16xf32>
      %get3A_1067 = arith.constant 36 : i32
      %get3A_1068 = arith.index_cast %get3A_1067 : i32 to index
      %get3A_1069 = arith.constant 32 : index
      %get3A_1070 = tpu.vector_load %arg9[%get3A_1068, %get3A_1069] {strides = array<i32>} : memref<40x64xf32, #tpu.memory_space<vmem>>, vector<1x16xf32>,
      %get3A_1071 = vector.shape_cast %get3A_1070 : vector<1x16xf32> to vector<16xf32>
      %add3A_1072 = arith.addf %add3A_1048, %get3A_1071 : vector<16xf32>
      %get3A_1073 = arith.constant 36 : i32
      %get3A_1074 = arith.index_cast %get3A_1073 : i32 to index
      %get3A_1075 = arith.constant 48 : index
      %get3A_1076 = tpu.vector_load %arg9[%get3A_1074, %get3A_1075] {strides = array<i32>} : memref<40x64xf32, #tpu.memory_space<vmem>>, vector<1x16xf32>,
      %get3A_1077 = vector.shape_cast %get3A_1076 : vector<1x16xf32> to vector<16xf32>
      %add3A_1078 = arith.addf %add3A_1054, %get3A_1077 : vector<16xf32>
      %get3A_1079 = arith.constant 37 : i32
      %get3A_1080 = arith.index_cast %get3A_1079 : i32 to index
      %get3A_1081 = arith.constant 0 : index
      %get3A_1082 = tpu.vector_load %arg9[%get3A_1080, %get3A_1081] {strides = array<i32>} : memref<40x64xf32, #tpu.memory_space<vmem>>, vector<1x16xf32>,
      %get3A_1083 = vector.shape_cast %get3A_1082 : vector<1x16xf32> to vector<16xf32>
      %add3A_1084 = arith.addf %add3A_1060, %get3A_1083 : vector<16xf32>
      %get3A_1085 = arith.constant 37 : i32
      %get3A_1086 = arith.index_cast %get3A_1085 : i32 to index
      %get3A_1087 = arith.constant 16 : index
      %get3A_1088 = tpu.vector_load %arg9[%get3A_1086, %get3A_1087] {strides = array<i32>} : memref<40x64xf32, #tpu.memory_space<vmem>>, vector<1x16xf32>,
      %get3A_1089 = vector.shape_cast %get3A_1088 : vector<1x16xf32> to vector<16xf32>
      %add3A_1090 = arith.addf %add3A_1066, %get3A_1089 : vector<16xf32>
      %get3A_1091 = arith.constant 37 : i32
      %get3A_1092 = arith.index_cast %get3A_1091 : i32 to index
      %get3A_1093 = arith.constant 32 : index
      %get3A_1094 = tpu.vector_load %arg9[%get3A_1092, %get3A_1093] {strides = array<i32>} : memref<40x64xf32, #tpu.memory_space<vmem>>, vector<1x16xf32>,
      %get3A_1095 = vector.shape_cast %get3A_1094 : vector<1x16xf32> to vector<16xf32>
      %add3A_1096 = arith.addf %add3A_1072, %get3A_1095 : vector<16xf32>
      %get3A_1097 = arith.constant 37 : i32
      %get3A_1098 = arith.index_cast %get3A_1097 : i32 to index
      %get3A_1099 = arith.constant 48 : index
      %get3A_1100 = tpu.vector_load %arg9[%get3A_1098, %get3A_1099] {strides = array<i32>} : memref<40x64xf32, #tpu.memory_space<vmem>>, vector<1x16xf32>,
      %get3A_1101 = vector.shape_cast %get3A_1100 : vector<1x16xf32> to vector<16xf32>
      %add3A_1102 = arith.addf %add3A_1078, %get3A_1101 : vector<16xf32>
      %get3A_1103 = arith.constant 38 : i32
      %get3A_1104 = arith.index_cast %get3A_1103 : i32 to index
      %get3A_1105 = arith.constant 0 : index
      %get3A_1106 = tpu.vector_load %arg9[%get3A_1104, %get3A_1105] {strides = array<i32>} : memref<40x64xf32, #tpu.memory_space<vmem>>, vector<1x16xf32>,
      %get3A_1107 = vector.shape_cast %get3A_1106 : vector<1x16xf32> to vector<16xf32>
      %add3A_1108 = arith.addf %add3A_1084, %get3A_1107 : vector<16xf32>
      %get3A_1109 = arith.constant 38 : i32
      %get3A_1110 = arith.index_cast %get3A_1109 : i32 to index
      %get3A_1111 = arith.constant 16 : index
      %get3A_1112 = tpu.vector_load %arg9[%get3A_1110, %get3A_1111] {strides = array<i32>} : memref<40x64xf32, #tpu.memory_space<vmem>>, vector<1x16xf32>,
      %get3A_1113 = vector.shape_cast %get3A_1112 : vector<1x16xf32> to vector<16xf32>
      %add3A_1114 = arith.addf %add3A_1090, %get3A_1113 : vector<16xf32>
      %get3A_1115 = arith.constant 38 : i32
      %get3A_1116 = arith.index_cast %get3A_1115 : i32 to index
      %get3A_1117 = arith.constant 32 : index
      %get3A_1118 = tpu.vector_load %arg9[%get3A_1116, %get3A_1117] {strides = array<i32>} : memref<40x64xf32, #tpu.memory_space<vmem>>, vector<1x16xf32>,
      %get3A_1119 = vector.shape_cast %get3A_1118 : vector<1x16xf32> to vector<16xf32>
      %add3A_1120 = arith.addf %add3A_1096, %get3A_1119 : vector<16xf32>
      %get3A_1121 = arith.constant 38 : i32
      %get3A_1122 = arith.index_cast %get3A_1121 : i32 to index
      %get3A_1123 = arith.constant 48 : index
      %get3A_1124 = tpu.vector_load %arg9[%get3A_1122, %get3A_1123] {strides = array<i32>} : memref<40x64xf32, #tpu.memory_space<vmem>>, vector<1x16xf32>,
      %get3A_1125 = vector.shape_cast %get3A_1124 : vector<1x16xf32> to vector<16xf32>
      %add3A_1126 = arith.addf %add3A_1102, %get3A_1125 : vector<16xf32>
      %get3A_1127 = arith.constant 39 : i32
      %get3A_1128 = arith.index_cast %get3A_1127 : i32 to index
      %get3A_1129 = arith.constant 0 : index
      %get3A_1130 = tpu.vector_load %arg9[%get3A_1128, %get3A_1129] {strides = array<i32>} : memref<40x64xf32, #tpu.memory_space<vmem>>, vector<1x16xf32>,
      %get3A_1131 = vector.shape_cast %get3A_1130 : vector<1x16xf32> to vector<16xf32>
      %add3A_1132 = arith.addf %add3A_1108, %get3A_1131 : vector<16xf32>
      %get3A_1133 = arith.constant 39 : i32
      %get3A_1134 = arith.index_cast %get3A_1133 : i32 to index
      %get3A_1135 = arith.constant 16 : index
      %get3A_1136 = tpu.vector_load %arg9[%get3A_1134, %get3A_1135] {strides = array<i32>} : memref<40x64xf32, #tpu.memory_space<vmem>>, vector<1x16xf32>,
      %get3A_1137 = vector.shape_cast %get3A_1136 : vector<1x16xf32> to vector<16xf32>
      %add3A_1138 = arith.addf %add3A_1114, %get3A_1137 : vector<16xf32>
      %get3A_1139 = arith.constant 39 : i32
      %get3A_1140 = arith.index_cast %get3A_1139 : i32 to index
      %get3A_1141 = arith.constant 32 : index
      %get3A_1142 = tpu.vector_load %arg9[%get3A_1140, %get3A_1141] {strides = array<i32>} : memref<40x64xf32, #tpu.memory_space<vmem>>, vector<1x16xf32>,
      %get3A_1143 = vector.shape_cast %get3A_1142 : vector<1x16xf32> to vector<16xf32>
      %add3A_1144 = arith.addf %add3A_1120, %get3A_1143 : vector<16xf32>
      %get3A_1145 = arith.constant 39 : i32
      %get3A_1146 = arith.index_cast %get3A_1145 : i32 to index
      %get3A_1147 = arith.constant 48 : index
      %get3A_1148 = tpu.vector_load %arg9[%get3A_1146, %get3A_1147] {strides = array<i32>} : memref<40x64xf32, #tpu.memory_space<vmem>>, vector<1x16xf32>,
      %get3A_1149 = vector.shape_cast %get3A_1148 : vector<1x16xf32> to vector<16xf32>
      %add3A_1150 = arith.addf %add3A_1126, %get3A_1149 : vector<16xf32>
      %broadcast_in_dim3A_1151 = arith.constant 0.000000e+00 : f32
      %broadcast_in_dim3A_1152 = vector.broadcast %broadcast_in_dim3A_1151 : f32 to vector<16xf32>
      %broadcast_in_dim3A_1153 = arith.constant 0.000000e+00 : f32
      %broadcast_in_dim3A_1154 = vector.broadcast %broadcast_in_dim3A_1153 : f32 to vector<16xf32>
      %broadcast_in_dim3A_1155 = arith.constant 0.000000e+00 : f32
      %broadcast_in_dim3A_1156 = vector.broadcast %broadcast_in_dim3A_1155 : f32 to vector<16xf32>
      %broadcast_in_dim3A_1157 = arith.constant 0.000000e+00 : f32
      %broadcast_in_dim3A_1158 = vector.broadcast %broadcast_in_dim3A_1157 : f32 to vector<16xf32>
      %scan3A_1159 = arith.constant 0 : i32
      %scan3A_1160 = arith.constant 25 : i32
      %scan3A_1161 = arith.addi %scan3A_1159, %scan3A_1160 : i32
      %scan3A_1162 = arith.constant 1 : i32
      %scan3A_1163:4 = scf.for %scan3A_1209 = %scan3A_1159 to %scan3A_1161 step %scan3A_1162 iter_args(%scan3A_1210 = %broadcast_in_dim3A_1152, %scan3A_1211 = %broadcast_in_dim3A_1154, %scan3A_1212 = %broadcast_in_dim3A_1156, %scan3A_1213 = %broadcast_in_dim3A_1158) -> (vector<16xf32>, vector<16xf32>, vector<16xf32>, vector<16xf32>)  : i32 {
        %mul3A_1214 = arith.constant 8 : i32
        %mul3A_1215 = arith.muli %scan3A_1209, %mul3A_1214 : i32
        %add3A_1216 = arith.constant 200 : i32
        %add3A_1217 = arith.addi %add3A_1216, %mul3A_1215 : i32
        %add3A_1218 = arith.constant 0 : i32
        %add3A_1219 = arith.addi %add3A_1217, %add3A_1218 : i32
        %get3A_1220 = arith.index_cast %add3A_1219 : i32 to index
        %get3A_1221 = arith.constant 0 : index
        %get3A_1222 = tpu.vector_load %arg10[%get3A_1220, %get3A_1221] {strides = array<i32>} : memref<400x64xf32, #tpu.memory_space<vmem>>, vector<1x16xf32>,
        %get3A_1223 = vector.shape_cast %get3A_1222 : vector<1x16xf32> to vector<16xf32>
        %add3A_1224 = arith.addf %scan3A_1210, %get3A_1223 : vector<16xf32>
        %get3A_1225 = arith.index_cast %add3A_1219 : i32 to index
        %get3A_1226 = arith.constant 16 : index
        %get3A_1227 = tpu.vector_load %arg10[%get3A_1225, %get3A_1226] {strides = array<i32>} : memref<400x64xf32, #tpu.memory_space<vmem>>, vector<1x16xf32>,
        %get3A_1228 = vector.shape_cast %get3A_1227 : vector<1x16xf32> to vector<16xf32>
        %add3A_1229 = arith.addf %scan3A_1211, %get3A_1228 : vector<16xf32>
        %get3A_1230 = arith.index_cast %add3A_1219 : i32 to index
        %get3A_1231 = arith.constant 32 : index
        %get3A_1232 = tpu.vector_load %arg10[%get3A_1230, %get3A_1231] {strides = array<i32>} : memref<400x64xf32, #tpu.memory_space<vmem>>, vector<1x16xf32>,
        %get3A_1233 = vector.shape_cast %get3A_1232 : vector<1x16xf32> to vector<16xf32>
        %add3A_1234 = arith.addf %scan3A_1212, %get3A_1233 : vector<16xf32>
        %get3A_1235 = arith.index_cast %add3A_1219 : i32 to index
        %get3A_1236 = arith.constant 48 : index
        %get3A_1237 = tpu.vector_load %arg10[%get3A_1235, %get3A_1236] {strides = array<i32>} : memref<400x64xf32, #tpu.memory_space<vmem>>, vector<1x16xf32>,
        %get3A_1238 = vector.shape_cast %get3A_1237 : vector<1x16xf32> to vector<16xf32>
        %add3A_1239 = arith.addf %scan3A_1213, %get3A_1238 : vector<16xf32>
        %mul3A_1240 = arith.constant 8 : i32
        %mul3A_1241 = arith.muli %scan3A_1209, %mul3A_1240 : i32
        %add3A_1242 = arith.constant 200 : i32
        %add3A_1243 = arith.addi %add3A_1242, %mul3A_1241 : i32
        %add3A_1244 = arith.constant 1 : i32
        %add3A_1245 = arith.addi %add3A_1243, %add3A_1244 : i32
        %get3A_1246 = arith.index_cast %add3A_1245 : i32 to index
        %get3A_1247 = arith.constant 0 : index
        %get3A_1248 = tpu.vector_load %arg10[%get3A_1246, %get3A_1247] {strides = array<i32>} : memref<400x64xf32, #tpu.memory_space<vmem>>, vector<1x16xf32>,
        %get3A_1249 = vector.shape_cast %get3A_1248 : vector<1x16xf32> to vector<16xf32>
        %add3A_1250 = arith.addf %add3A_1224, %get3A_1249 : vector<16xf32>
        %get3A_1251 = arith.index_cast %add3A_1245 : i32 to index
        %get3A_1252 = arith.constant 16 : index
        %get3A_1253 = tpu.vector_load %arg10[%get3A_1251, %get3A_1252] {strides = array<i32>} : memref<400x64xf32, #tpu.memory_space<vmem>>, vector<1x16xf32>,
        %get3A_1254 = vector.shape_cast %get3A_1253 : vector<1x16xf32> to vector<16xf32>
        %add3A_1255 = arith.addf %add3A_1229, %get3A_1254 : vector<16xf32>
        %get3A_1256 = arith.index_cast %add3A_1245 : i32 to index
        %get3A_1257 = arith.constant 32 : index
        %get3A_1258 = tpu.vector_load %arg10[%get3A_1256, %get3A_1257] {strides = array<i32>} : memref<400x64xf32, #tpu.memory_space<vmem>>, vector<1x16xf32>,
        %get3A_1259 = vector.shape_cast %get3A_1258 : vector<1x16xf32> to vector<16xf32>
        %add3A_1260 = arith.addf %add3A_1234, %get3A_1259 : vector<16xf32>
        %get3A_1261 = arith.index_cast %add3A_1245 : i32 to index
        %get3A_1262 = arith.constant 48 : index
        %get3A_1263 = tpu.vector_load %arg10[%get3A_1261, %get3A_1262] {strides = array<i32>} : memref<400x64xf32, #tpu.memory_space<vmem>>, vector<1x16xf32>,
        %get3A_1264 = vector.shape_cast %get3A_1263 : vector<1x16xf32> to vector<16xf32>
        %add3A_1265 = arith.addf %add3A_1239, %get3A_1264 : vector<16xf32>
        %mul3A_1266 = arith.constant 8 : i32
        %mul3A_1267 = arith.muli %scan3A_1209, %mul3A_1266 : i32
        %add3A_1268 = arith.constant 200 : i32
        %add3A_1269 = arith.addi %add3A_1268, %mul3A_1267 : i32
        %add3A_1270 = arith.constant 2 : i32
        %add3A_1271 = arith.addi %add3A_1269, %add3A_1270 : i32
        %get3A_1272 = arith.index_cast %add3A_1271 : i32 to index
        %get3A_1273 = arith.constant 0 : index
        %get3A_1274 = tpu.vector_load %arg10[%get3A_1272, %get3A_1273] {strides = array<i32>} : memref<400x64xf32, #tpu.memory_space<vmem>>, vector<1x16xf32>,
        %get3A_1275 = vector.shape_cast %get3A_1274 : vector<1x16xf32> to vector<16xf32>
        %add3A_1276 = arith.addf %add3A_1250, %get3A_1275 : vector<16xf32>
        %get3A_1277 = arith.index_cast %add3A_1271 : i32 to index
        %get3A_1278 = arith.constant 16 : index
        %get3A_1279 = tpu.vector_load %arg10[%get3A_1277, %get3A_1278] {strides = array<i32>} : memref<400x64xf32, #tpu.memory_space<vmem>>, vector<1x16xf32>,
        %get3A_1280 = vector.shape_cast %get3A_1279 : vector<1x16xf32> to vector<16xf32>
        %add3A_1281 = arith.addf %add3A_1255, %get3A_1280 : vector<16xf32>
        %get3A_1282 = arith.index_cast %add3A_1271 : i32 to index
        %get3A_1283 = arith.constant 32 : index
        %get3A_1284 = tpu.vector_load %arg10[%get3A_1282, %get3A_1283] {strides = array<i32>} : memref<400x64xf32, #tpu.memory_space<vmem>>, vector<1x16xf32>,
        %get3A_1285 = vector.shape_cast %get3A_1284 : vector<1x16xf32> to vector<16xf32>
        %add3A_1286 = arith.addf %add3A_1260, %get3A_1285 : vector<16xf32>
        %get3A_1287 = arith.index_cast %add3A_1271 : i32 to index
        %get3A_1288 = arith.constant 48 : index
        %get3A_1289 = tpu.vector_load %arg10[%get3A_1287, %get3A_1288] {strides = array<i32>} : memref<400x64xf32, #tpu.memory_space<vmem>>, vector<1x16xf32>,
        %get3A_1290 = vector.shape_cast %get3A_1289 : vector<1x16xf32> to vector<16xf32>
        %add3A_1291 = arith.addf %add3A_1265, %get3A_1290 : vector<16xf32>
        %mul3A_1292 = arith.constant 8 : i32
        %mul3A_1293 = arith.muli %scan3A_1209, %mul3A_1292 : i32
        %add3A_1294 = arith.constant 200 : i32
        %add3A_1295 = arith.addi %add3A_1294, %mul3A_1293 : i32
        %add3A_1296 = arith.constant 3 : i32
        %add3A_1297 = arith.addi %add3A_1295, %add3A_1296 : i32
        %get3A_1298 = arith.index_cast %add3A_1297 : i32 to index
        %get3A_1299 = arith.constant 0 : index
        %get3A_1300 = tpu.vector_load %arg10[%get3A_1298, %get3A_1299] {strides = array<i32>} : memref<400x64xf32, #tpu.memory_space<vmem>>, vector<1x16xf32>,
        %get3A_1301 = vector.shape_cast %get3A_1300 : vector<1x16xf32> to vector<16xf32>
        %add3A_1302 = arith.addf %add3A_1276, %get3A_1301 : vector<16xf32>
        %get3A_1303 = arith.index_cast %add3A_1297 : i32 to index
        %get3A_1304 = arith.constant 16 : index
        %get3A_1305 = tpu.vector_load %arg10[%get3A_1303, %get3A_1304] {strides = array<i32>} : memref<400x64xf32, #tpu.memory_space<vmem>>, vector<1x16xf32>,
        %get3A_1306 = vector.shape_cast %get3A_1305 : vector<1x16xf32> to vector<16xf32>
        %add3A_1307 = arith.addf %add3A_1281, %get3A_1306 : vector<16xf32>
        %get3A_1308 = arith.index_cast %add3A_1297 : i32 to index
        %get3A_1309 = arith.constant 32 : index
        %get3A_1310 = tpu.vector_load %arg10[%get3A_1308, %get3A_1309] {strides = array<i32>} : memref<400x64xf32, #tpu.memory_space<vmem>>, vector<1x16xf32>,
        %get3A_1311 = vector.shape_cast %get3A_1310 : vector<1x16xf32> to vector<16xf32>
        %add3A_1312 = arith.addf %add3A_1286, %get3A_1311 : vector<16xf32>
        %get3A_1313 = arith.index_cast %add3A_1297 : i32 to index
        %get3A_1314 = arith.constant 48 : index
        %get3A_1315 = tpu.vector_load %arg10[%get3A_1313, %get3A_1314] {strides = array<i32>} : memref<400x64xf32, #tpu.memory_space<vmem>>, vector<1x16xf32>,
        %get3A_1316 = vector.shape_cast %get3A_1315 : vector<1x16xf32> to vector<16xf32>
        %add3A_1317 = arith.addf %add3A_1291, %get3A_1316 : vector<16xf32>
        %mul3A_1318 = arith.constant 8 : i32
        %mul3A_1319 = arith.muli %scan3A_1209, %mul3A_1318 : i32
        %add3A_1320 = arith.constant 200 : i32
        %add3A_1321 = arith.addi %add3A_1320, %mul3A_1319 : i32
        %add3A_1322 = arith.constant 4 : i32
        %add3A_1323 = arith.addi %add3A_1321, %add3A_1322 : i32
        %get3A_1324 = arith.index_cast %add3A_1323 : i32 to index
        %get3A_1325 = arith.constant 0 : index
        %get3A_1326 = tpu.vector_load %arg10[%get3A_1324, %get3A_1325] {strides = array<i32>} : memref<400x64xf32, #tpu.memory_space<vmem>>, vector<1x16xf32>,
        %get3A_1327 = vector.shape_cast %get3A_1326 : vector<1x16xf32> to vector<16xf32>
        %add3A_1328 = arith.addf %add3A_1302, %get3A_1327 : vector<16xf32>
        %get3A_1329 = arith.index_cast %add3A_1323 : i32 to index
        %get3A_1330 = arith.constant 16 : index
        %get3A_1331 = tpu.vector_load %arg10[%get3A_1329, %get3A_1330] {strides = array<i32>} : memref<400x64xf32, #tpu.memory_space<vmem>>, vector<1x16xf32>,
        %get3A_1332 = vector.shape_cast %get3A_1331 : vector<1x16xf32> to vector<16xf32>
        %add3A_1333 = arith.addf %add3A_1307, %get3A_1332 : vector<16xf32>
        %get3A_1334 = arith.index_cast %add3A_1323 : i32 to index
        %get3A_1335 = arith.constant 32 : index
        %get3A_1336 = tpu.vector_load %arg10[%get3A_1334, %get3A_1335] {strides = array<i32>} : memref<400x64xf32, #tpu.memory_space<vmem>>, vector<1x16xf32>,
        %get3A_1337 = vector.shape_cast %get3A_1336 : vector<1x16xf32> to vector<16xf32>
        %add3A_1338 = arith.addf %add3A_1312, %get3A_1337 : vector<16xf32>
        %get3A_1339 = arith.index_cast %add3A_1323 : i32 to index
        %get3A_1340 = arith.constant 48 : index
        %get3A_1341 = tpu.vector_load %arg10[%get3A_1339, %get3A_1340] {strides = array<i32>} : memref<400x64xf32, #tpu.memory_space<vmem>>, vector<1x16xf32>,
        %get3A_1342 = vector.shape_cast %get3A_1341 : vector<1x16xf32> to vector<16xf32>
        %add3A_1343 = arith.addf %add3A_1317, %get3A_1342 : vector<16xf32>
        %mul3A_1344 = arith.constant 8 : i32
        %mul3A_1345 = arith.muli %scan3A_1209, %mul3A_1344 : i32
        %add3A_1346 = arith.constant 200 : i32
        %add3A_1347 = arith.addi %add3A_1346, %mul3A_1345 : i32
        %add3A_1348 = arith.constant 5 : i32
        %add3A_1349 = arith.addi %add3A_1347, %add3A_1348 : i32
        %get3A_1350 = arith.index_cast %add3A_1349 : i32 to index
        %get3A_1351 = arith.constant 0 : index
        %get3A_1352 = tpu.vector_load %arg10[%get3A_1350, %get3A_1351] {strides = array<i32>} : memref<400x64xf32, #tpu.memory_space<vmem>>, vector<1x16xf32>,
        %get3A_1353 = vector.shape_cast %get3A_1352 : vector<1x16xf32> to vector<16xf32>
        %add3A_1354 = arith.addf %add3A_1328, %get3A_1353 : vector<16xf32>
        %get3A_1355 = arith.index_cast %add3A_1349 : i32 to index
        %get3A_1356 = arith.constant 16 : index
        %get3A_1357 = tpu.vector_load %arg10[%get3A_1355, %get3A_1356] {strides = array<i32>} : memref<400x64xf32, #tpu.memory_space<vmem>>, vector<1x16xf32>,
        %get3A_1358 = vector.shape_cast %get3A_1357 : vector<1x16xf32> to vector<16xf32>
        %add3A_1359 = arith.addf %add3A_1333, %get3A_1358 : vector<16xf32>
        %get3A_1360 = arith.index_cast %add3A_1349 : i32 to index
        %get3A_1361 = arith.constant 32 : index
        %get3A_1362 = tpu.vector_load %arg10[%get3A_1360, %get3A_1361] {strides = array<i32>} : memref<400x64xf32, #tpu.memory_space<vmem>>, vector<1x16xf32>,
        %get3A_1363 = vector.shape_cast %get3A_1362 : vector<1x16xf32> to vector<16xf32>
        %add3A_1364 = arith.addf %add3A_1338, %get3A_1363 : vector<16xf32>
        %get3A_1365 = arith.index_cast %add3A_1349 : i32 to index
        %get3A_1366 = arith.constant 48 : index
        %get3A_1367 = tpu.vector_load %arg10[%get3A_1365, %get3A_1366] {strides = array<i32>} : memref<400x64xf32, #tpu.memory_space<vmem>>, vector<1x16xf32>,
        %get3A_1368 = vector.shape_cast %get3A_1367 : vector<1x16xf32> to vector<16xf32>
        %add3A_1369 = arith.addf %add3A_1343, %get3A_1368 : vector<16xf32>
        %mul3A_1370 = arith.constant 8 : i32
        %mul3A_1371 = arith.muli %scan3A_1209, %mul3A_1370 : i32
        %add3A_1372 = arith.constant 200 : i32
        %add3A_1373 = arith.addi %add3A_1372, %mul3A_1371 : i32
        %add3A_1374 = arith.constant 6 : i32
        %add3A_1375 = arith.addi %add3A_1373, %add3A_1374 : i32
        %get3A_1376 = arith.index_cast %add3A_1375 : i32 to index
        %get3A_1377 = arith.constant 0 : index
        %get3A_1378 = tpu.vector_load %arg10[%get3A_1376, %get3A_1377] {strides = array<i32>} : memref<400x64xf32, #tpu.memory_space<vmem>>, vector<1x16xf32>,
        %get3A_1379 = vector.shape_cast %get3A_1378 : vector<1x16xf32> to vector<16xf32>
        %add3A_1380 = arith.addf %add3A_1354, %get3A_1379 : vector<16xf32>
        %get3A_1381 = arith.index_cast %add3A_1375 : i32 to index
        %get3A_1382 = arith.constant 16 : index
        %get3A_1383 = tpu.vector_load %arg10[%get3A_1381, %get3A_1382] {strides = array<i32>} : memref<400x64xf32, #tpu.memory_space<vmem>>, vector<1x16xf32>,
        %get3A_1384 = vector.shape_cast %get3A_1383 : vector<1x16xf32> to vector<16xf32>
        %add3A_1385 = arith.addf %add3A_1359, %get3A_1384 : vector<16xf32>
        %get3A_1386 = arith.index_cast %add3A_1375 : i32 to index
        %get3A_1387 = arith.constant 32 : index
        %get3A_1388 = tpu.vector_load %arg10[%get3A_1386, %get3A_1387] {strides = array<i32>} : memref<400x64xf32, #tpu.memory_space<vmem>>, vector<1x16xf32>,
        %get3A_1389 = vector.shape_cast %get3A_1388 : vector<1x16xf32> to vector<16xf32>
        %add3A_1390 = arith.addf %add3A_1364, %get3A_1389 : vector<16xf32>
        %get3A_1391 = arith.index_cast %add3A_1375 : i32 to index
        %get3A_1392 = arith.constant 48 : index
        %get3A_1393 = tpu.vector_load %arg10[%get3A_1391, %get3A_1392] {strides = array<i32>} : memref<400x64xf32, #tpu.memory_space<vmem>>, vector<1x16xf32>,
        %get3A_1394 = vector.shape_cast %get3A_1393 : vector<1x16xf32> to vector<16xf32>
        %add3A_1395 = arith.addf %add3A_1369, %get3A_1394 : vector<16xf32>
        %mul3A_1396 = arith.constant 8 : i32
        %mul3A_1397 = arith.muli %scan3A_1209, %mul3A_1396 : i32
        %add3A_1398 = arith.constant 200 : i32
        %add3A_1399 = arith.addi %add3A_1398, %mul3A_1397 : i32
        %add3A_1400 = arith.constant 7 : i32
        %add3A_1401 = arith.addi %add3A_1399, %add3A_1400 : i32
        %get3A_1402 = arith.index_cast %add3A_1401 : i32 to index
        %get3A_1403 = arith.constant 0 : index
        %get3A_1404 = tpu.vector_load %arg10[%get3A_1402, %get3A_1403] {strides = array<i32>} : memref<400x64xf32, #tpu.memory_space<vmem>>, vector<1x16xf32>,
        %get3A_1405 = vector.shape_cast %get3A_1404 : vector<1x16xf32> to vector<16xf32>
        %add3A_1406 = arith.addf %add3A_1380, %get3A_1405 : vector<16xf32>
        %get3A_1407 = arith.index_cast %add3A_1401 : i32 to index
        %get3A_1408 = arith.constant 16 : index
        %get3A_1409 = tpu.vector_load %arg10[%get3A_1407, %get3A_1408] {strides = array<i32>} : memref<400x64xf32, #tpu.memory_space<vmem>>, vector<1x16xf32>,
        %get3A_1410 = vector.shape_cast %get3A_1409 : vector<1x16xf32> to vector<16xf32>
        %add3A_1411 = arith.addf %add3A_1385, %get3A_1410 : vector<16xf32>
        %get3A_1412 = arith.index_cast %add3A_1401 : i32 to index
        %get3A_1413 = arith.constant 32 : index
        %get3A_1414 = tpu.vector_load %arg10[%get3A_1412, %get3A_1413] {strides = array<i32>} : memref<400x64xf32, #tpu.memory_space<vmem>>, vector<1x16xf32>,
        %get3A_1415 = vector.shape_cast %get3A_1414 : vector<1x16xf32> to vector<16xf32>
        %add3A_1416 = arith.addf %add3A_1390, %get3A_1415 : vector<16xf32>
        %get3A_1417 = arith.index_cast %add3A_1401 : i32 to index
        %get3A_1418 = arith.constant 48 : index
        %get3A_1419 = tpu.vector_load %arg10[%get3A_1417, %get3A_1418] {strides = array<i32>} : memref<400x64xf32, #tpu.memory_space<vmem>>, vector<1x16xf32>,
        %get3A_1420 = vector.shape_cast %get3A_1419 : vector<1x16xf32> to vector<16xf32>
        %add3A_1421 = arith.addf %add3A_1395, %get3A_1420 : vector<16xf32>
        scf.yield %add3A_1406, %add3A_1411, %add3A_1416, %add3A_1421 : vector<16xf32>, vector<16xf32>, vector<16xf32>, vector<16xf32>
      }
      %scan3A_1164 = arith.constant 25 : i32
      %mul3A_1165 = arith.constant 2 : i32
      %mul3A_1166 = arith.muli %mul3A_1165, %scan3A_16 : i32
      %add3A_1167 = arith.constant 1 : i32
      %add3A_1168 = arith.addi %mul3A_1166, %add3A_1167 : i32
      %swap3A_1169 = arith.index_cast %add3A_1168 : i32 to index
      %swap3A_1170 = arith.constant 0 : index
      %swap3A_1171 = tpu.vector_load %arg11[%swap3A_1169, %swap3A_1170] {strides = array<i32>} : memref<128x64xf32, #tpu.memory_space<vmem>>, vector<1x16xf32>,
      %swap3A_1172 = vector.shape_cast %swap3A_1171 : vector<1x16xf32> to vector<16xf32>
      %swap3A_1173 = vector.shape_cast %add3A_1132 : vector<16xf32> to vector<1x16xf32>
      tpu.vector_store %arg11[%swap3A_1169, %swap3A_1170], %swap3A_1173 {strides = array<i32>} : memref<128x64xf32, #tpu.memory_space<vmem>>, vector<1x16xf32>,
      %swap3A_1174 = arith.index_cast %add3A_1168 : i32 to index
      %swap3A_1175 = arith.constant 0 : index
      %swap3A_1176 = tpu.vector_load %arg12[%swap3A_1174, %swap3A_1175] {strides = array<i32>} : memref<128x64xf32, #tpu.memory_space<vmem>>, vector<1x16xf32>,
      %swap3A_1177 = vector.shape_cast %swap3A_1176 : vector<1x16xf32> to vector<16xf32>
      %swap3A_1178 = vector.shape_cast %scan3A_1163#0 : vector<16xf32> to vector<1x16xf32>
      tpu.vector_store %arg12[%swap3A_1174, %swap3A_1175], %swap3A_1178 {strides = array<i32>} : memref<128x64xf32, #tpu.memory_space<vmem>>, vector<1x16xf32>,
      %swap3A_1179 = arith.index_cast %add3A_1168 : i32 to index
      %swap3A_1180 = arith.constant 16 : index
      %swap3A_1181 = tpu.vector_load %arg11[%swap3A_1179, %swap3A_1180] {strides = array<i32>} : memref<128x64xf32, #tpu.memory_space<vmem>>, vector<1x16xf32>,
      %swap3A_1182 = vector.shape_cast %swap3A_1181 : vector<1x16xf32> to vector<16xf32>
      %swap3A_1183 = vector.shape_cast %add3A_1138 : vector<16xf32> to vector<1x16xf32>
      tpu.vector_store %arg11[%swap3A_1179, %swap3A_1180], %swap3A_1183 {strides = array<i32>} : memref<128x64xf32, #tpu.memory_space<vmem>>, vector<1x16xf32>,
      %swap3A_1184 = arith.index_cast %add3A_1168 : i32 to index
      %swap3A_1185 = arith.constant 16 : index
      %swap3A_1186 = tpu.vector_load %arg12[%swap3A_1184, %swap3A_1185] {strides = array<i32>} : memref<128x64xf32, #tpu.memory_space<vmem>>, vector<1x16xf32>,
      %swap3A_1187 = vector.shape_cast %swap3A_1186 : vector<1x16xf32> to vector<16xf32>
      %swap3A_1188 = vector.shape_cast %scan3A_1163#1 : vector<16xf32> to vector<1x16xf32>
      tpu.vector_store %arg12[%swap3A_1184, %swap3A_1185], %swap3A_1188 {strides = array<i32>} : memref<128x64xf32, #tpu.memory_space<vmem>>, vector<1x16xf32>,
      %swap3A_1189 = arith.index_cast %add3A_1168 : i32 to index
      %swap3A_1190 = arith.constant 32 : index
      %swap3A_1191 = tpu.vector_load %arg11[%swap3A_1189, %swap3A_1190] {strides = array<i32>} : memref<128x64xf32, #tpu.memory_space<vmem>>, vector<1x16xf32>,
      %swap3A_1192 = vector.shape_cast %swap3A_1191 : vector<1x16xf32> to vector<16xf32>
      %swap3A_1193 = vector.shape_cast %add3A_1144 : vector<16xf32> to vector<1x16xf32>
      tpu.vector_store %arg11[%swap3A_1189, %swap3A_1190], %swap3A_1193 {strides = array<i32>} : memref<128x64xf32, #tpu.memory_space<vmem>>, vector<1x16xf32>,
      %swap3A_1194 = arith.index_cast %add3A_1168 : i32 to index
      %swap3A_1195 = arith.constant 32 : index
      %swap3A_1196 = tpu.vector_load %arg12[%swap3A_1194, %swap3A_1195] {strides = array<i32>} : memref<128x64xf32, #tpu.memory_space<vmem>>, vector<1x16xf32>,
      %swap3A_1197 = vector.shape_cast %swap3A_1196 : vector<1x16xf32> to vector<16xf32>
      %swap3A_1198 = vector.shape_cast %scan3A_1163#2 : vector<16xf32> to vector<1x16xf32>
      tpu.vector_store %arg12[%swap3A_1194, %swap3A_1195], %swap3A_1198 {strides = array<i32>} : memref<128x64xf32, #tpu.memory_space<vmem>>, vector<1x16xf32>,
      %swap3A_1199 = arith.index_cast %add3A_1168 : i32 to index
      %swap3A_1200 = arith.constant 48 : index
      %swap3A_1201 = tpu.vector_load %arg11[%swap3A_1199, %swap3A_1200] {strides = array<i32>} : memref<128x64xf32, #tpu.memory_space<vmem>>, vector<1x16xf32>,
      %swap3A_1202 = vector.shape_cast %swap3A_1201 : vector<1x16xf32> to vector<16xf32>
      %swap3A_1203 = vector.shape_cast %add3A_1150 : vector<16xf32> to vector<1x16xf32>
      tpu.vector_store %arg11[%swap3A_1199, %swap3A_1200], %swap3A_1203 {strides = array<i32>} : memref<128x64xf32, #tpu.memory_space<vmem>>, vector<1x16xf32>,
      %swap3A_1204 = arith.index_cast %add3A_1168 : i32 to index
      %swap3A_1205 = arith.constant 48 : index
      %swap3A_1206 = tpu.vector_load %arg12[%swap3A_1204, %swap3A_1205] {strides = array<i32>} : memref<128x64xf32, #tpu.memory_space<vmem>>, vector<1x16xf32>,
      %swap3A_1207 = vector.shape_cast %swap3A_1206 : vector<1x16xf32> to vector<16xf32>
      %swap3A_1208 = vector.shape_cast %scan3A_1163#3 : vector<16xf32> to vector<1x16xf32>
      tpu.vector_store %arg12[%swap3A_1204, %swap3A_1205], %swap3A_1208 {strides = array<i32>} : memref<128x64xf32, #tpu.memory_space<vmem>>, vector<1x16xf32>,
    }
    %scan3A_15 = arith.constant 64 : i32
    "tpu.region"() ({
      %run_scoped3A = tpu.sem_alloc : memref<!tpu.dma_semaphore, #tpu.memory_space<semaphore_mem>>
      %dma_start3A = arith.constant 0 : i32
      %dma_start3A_16 = tpu.memref_slice %arg5[%mul3A_2, %dma_start3A] : memref<4096x64xf32, #tpu.memory_space<hbm>> -> memref<128x64xf32, #tpu.memory_space<hbm>>
      %dma_start3A_17 = arith.constant 0 : i32
      %dma_start3A_18 = tpu.memref_slice %arg5[%mul3A_2, %dma_start3A_17] : memref<4096x64xf32, #tpu.memory_space<hbm>> -> memref<128x64xf32, #tpu.memory_space<hbm>>
      tpu.enqueue_dma source(%arg11 : memref<128x64xf32, #tpu.memory_space<vmem>>) target(%dma_start3A_18 : memref<128x64xf32, #tpu.memory_space<hbm>>) target_semaphore(%run_scoped3A : memref<!tpu.dma_semaphore, #tpu.memory_space<semaphore_mem>>)
      %dma_wait3A = arith.constant 0 : i32
      %dma_wait3A_19 = tpu.memref_slice %arg5[%mul3A_2, %dma_wait3A] : memref<4096x64xf32, #tpu.memory_space<hbm>> -> memref<128x64xf32, #tpu.memory_space<hbm>>
      %dma_wait3A_20 = arith.constant 0 : i32
      %dma_wait3A_21 = tpu.memref_slice %arg5[%mul3A_2, %dma_wait3A_20] : memref<4096x64xf32, #tpu.memory_space<hbm>> -> memref<128x64xf32, #tpu.memory_space<hbm>>
      tpu.wait_dma2 semaphore(%run_scoped3A : memref<!tpu.dma_semaphore, #tpu.memory_space<semaphore_mem>>) src(%arg11 : memref<128x64xf32, #tpu.memory_space<vmem>>) dst(%dma_wait3A_21 : memref<128x64xf32, #tpu.memory_space<hbm>>)
      tpu.yield
    }) : () -> ()
    "tpu.region"() ({
      %run_scoped3A = tpu.sem_alloc : memref<!tpu.dma_semaphore, #tpu.memory_space<semaphore_mem>>
      %dma_start3A = arith.constant 0 : i32
      %dma_start3A_16 = tpu.memref_slice %arg6[%mul3A_2, %dma_start3A] : memref<4096x64xf32, #tpu.memory_space<hbm>> -> memref<128x64xf32, #tpu.memory_space<hbm>>
      %dma_start3A_17 = arith.constant 0 : i32
      %dma_start3A_18 = tpu.memref_slice %arg6[%mul3A_2, %dma_start3A_17] : memref<4096x64xf32, #tpu.memory_space<hbm>> -> memref<128x64xf32, #tpu.memory_space<hbm>>
      tpu.enqueue_dma source(%arg12 : memref<128x64xf32, #tpu.memory_space<vmem>>) target(%dma_start3A_18 : memref<128x64xf32, #tpu.memory_space<hbm>>) target_semaphore(%run_scoped3A : memref<!tpu.dma_semaphore, #tpu.memory_space<semaphore_mem>>)
      %dma_wait3A = arith.constant 0 : i32
      %dma_wait3A_19 = tpu.memref_slice %arg6[%mul3A_2, %dma_wait3A] : memref<4096x64xf32, #tpu.memory_space<hbm>> -> memref<128x64xf32, #tpu.memory_space<hbm>>
      %dma_wait3A_20 = arith.constant 0 : i32
      %dma_wait3A_21 = tpu.memref_slice %arg6[%mul3A_2, %dma_wait3A_20] : memref<4096x64xf32, #tpu.memory_space<hbm>> -> memref<128x64xf32, #tpu.memory_space<hbm>>
      tpu.wait_dma2 semaphore(%run_scoped3A : memref<!tpu.dma_semaphore, #tpu.memory_space<semaphore_mem>>) src(%arg12 : memref<128x64xf32, #tpu.memory_space<vmem>>) dst(%dma_wait3A_21 : memref<128x64xf32, #tpu.memory_space<hbm>>)
      tpu.yield
    }) : () -> ()
    return
  }
}

module attributes {stable_mosaic.version = 14 : i64} {
  func.func @_tc_body(%arg0: i32, %arg1: memref<512x64xf32, #tpu.memory_space<vmem>>, %arg2: memref<512x64xf32, #tpu.memory_space<vmem>>, %arg3: memref<512x20xi32, #tpu.memory_space<vmem>>, %arg4: memref<512x200xi32, #tpu.memory_space<vmem>>, %arg5: memref<1024x64xf32, #tpu.memory_space<vmem>>, %arg6: memref<1x1xf32, #tpu.memory_space<vmem>>, %arg7: memref<1x64xf32, #tpu.memory_space<vmem>>, %arg8: memref<1x64xf32, #tpu.memory_space<vmem>>, %arg9: memref<1xf32, #tpu.memory_space<smem>>) attributes {dimension_semantics = [#tpu.dimension_semantics<arbitrary>], iteration_bounds = array<i64: 8>, scalar_prefetch = 0 : i64, scratch_operands = 3 : i64, tpu.core_type = #tpu.core_type<tc>, window_params = [{transform_indices = @transform_0, window_bounds = array<i64: 512, 64>}, {transform_indices = @transform_1, window_bounds = array<i64: 512, 64>}, {transform_indices = @transform_2, window_bounds = array<i64: 512, 20>}, {transform_indices = @transform_3, window_bounds = array<i64: 512, 200>}, {pipeline_mode = #tpu.pipeline_mode<synchronous>, transform_indices = @transform_4, window_bounds = array<i64: 1024, 64>}, {pipeline_mode = #tpu.pipeline_mode<synchronous>, transform_indices = @transform_5, window_bounds = array<i64: 1, 1>}]} {
    %eq3A = arith.constant 0 : i32
    %eq3A_0 = arith.cmpi eq, %arg0, %eq3A : i32
    %convert_element_type3A = arith.extui %eq3A_0 : i1 to i32
    %cond3A = arith.constant 0 : i32
    %cond3A_1 = arith.cmpi ne, %convert_element_type3A, %cond3A : i32
    scf.if %cond3A_1 {
      %broadcast_in_dim3A_109 = arith.constant 0.000000e+00 : f32
      %broadcast_in_dim3A_110 = vector.broadcast %broadcast_in_dim3A_109 : f32 to vector<1x64xf32>
      %swap3A_111 = arith.constant 0 : index
      %swap3A_112 = arith.constant 0 : index
      %swap3A_113 = vector.load %arg7[%swap3A_111, %swap3A_112] : memref<1x64xf32, #tpu.memory_space<vmem>>, vector<1x64xf32>
      tpu.vector_store %arg7[%swap3A_111, %swap3A_112], %broadcast_in_dim3A_110 {strides = array<i32>} : memref<1x64xf32, #tpu.memory_space<vmem>>, vector<1x64xf32>,
      %broadcast_in_dim3A_114 = arith.constant 0.000000e+00 : f32
      %broadcast_in_dim3A_115 = vector.broadcast %broadcast_in_dim3A_114 : f32 to vector<1x64xf32>
      %swap3A_116 = arith.constant 0 : index
      %swap3A_117 = arith.constant 0 : index
      %swap3A_118 = vector.load %arg8[%swap3A_116, %swap3A_117] : memref<1x64xf32, #tpu.memory_space<vmem>>, vector<1x64xf32>
      tpu.vector_store %arg8[%swap3A_116, %swap3A_117], %broadcast_in_dim3A_115 {strides = array<i32>} : memref<1x64xf32, #tpu.memory_space<vmem>>, vector<1x64xf32>,
      %swap3A_119 = arith.constant 0.000000e+00 : f32
      %swap3A_120 = arith.constant 0 : index
      %swap3A_121 = memref.load %arg9[%swap3A_120] : memref<1xf32, #tpu.memory_space<smem>>
      memref.store %swap3A_119, %arg9[%swap3A_120] : memref<1xf32, #tpu.memory_space<smem>>
    } else {
    }
    %get3A = arith.constant 0 : index
    %get3A_2 = arith.constant 0 : index
    %get3A_3 = vector.load %arg3[%get3A, %get3A_2] : memref<512x20xi32, #tpu.memory_space<vmem>>, vector<512x20xi32>
    %gt3A = arith.constant 0 : i32
    %gt3A_4 = vector.broadcast %gt3A : i32 to vector<512x20xi32>
    %gt3A_5 = arith.cmpi sgt, %get3A_3, %gt3A_4 : vector<512x20xi32>
    %convert_element_type3A_6 = arith.extui %gt3A_5 : vector<512x20xi1> to vector<512x20xi32>
    %convert_element_type3A_7 = arith.sitofp %convert_element_type3A_6 : vector<512x20xi32> to vector<512x20xf32>
    %reduce_sum3A = arith.constant dense<0.000000e+00> : vector<512xf32>
    %reduce_sum3A_8 = vector.multi_reduction <add>, %convert_element_type3A_7, %reduce_sum3A [1] : vector<512x20xf32> to vector<512xf32>
    %broadcast_in_dim3A = vector.shape_cast %reduce_sum3A_8 : vector<512xf32> to vector<512x1xf32>
    %get3A_9 = arith.constant 0 : index
    %get3A_10 = arith.constant 0 : index
    %get3A_11 = vector.load %arg4[%get3A_9, %get3A_10] : memref<512x200xi32, #tpu.memory_space<vmem>>, vector<512x200xi32>
    %gt3A_12 = arith.constant 0 : i32
    %gt3A_13 = vector.broadcast %gt3A_12 : i32 to vector<512x200xi32>
    %gt3A_14 = arith.cmpi sgt, %get3A_11, %gt3A_13 : vector<512x200xi32>
    %convert_element_type3A_15 = arith.extui %gt3A_14 : vector<512x200xi1> to vector<512x200xi32>
    %convert_element_type3A_16 = arith.sitofp %convert_element_type3A_15 : vector<512x200xi32> to vector<512x200xf32>
    %reduce_sum3A_17 = arith.constant dense<0.000000e+00> : vector<512xf32>
    %reduce_sum3A_18 = vector.multi_reduction <add>, %convert_element_type3A_16, %reduce_sum3A_17 [1] : vector<512x200xf32> to vector<512xf32>
    %broadcast_in_dim3A_19 = vector.shape_cast %reduce_sum3A_18 : vector<512xf32> to vector<512x1xf32>
    %get3A_20 = arith.constant 0 : index
    %get3A_21 = arith.constant 0 : index
    %get3A_22 = vector.load %arg1[%get3A_20, %get3A_21] : memref<512x64xf32, #tpu.memory_space<vmem>>, vector<512x64xf32>
    %mul3A = arith.constant 3.000000e-01 : f32
    %mul3A_23 = vector.broadcast %mul3A : f32 to vector<512x64xf32>
    %mul3A_24 = arith.mulf %mul3A_23, %get3A_22 : vector<512x64xf32>
    %div3A = vector.broadcast %broadcast_in_dim3A : vector<512x1xf32> to vector<512x64xf32>
    %div3A_25 = arith.divf %mul3A_24, %div3A : vector<512x64xf32>
    %get3A_26 = arith.constant 0 : index
    %get3A_27 = arith.constant 0 : index
    %get3A_28 = vector.load %arg2[%get3A_26, %get3A_27] : memref<512x64xf32, #tpu.memory_space<vmem>>, vector<512x64xf32>
    %mul3A_29 = arith.constant 0.699999988 : f32
    %mul3A_30 = vector.broadcast %mul3A_29 : f32 to vector<512x64xf32>
    %mul3A_31 = arith.mulf %mul3A_30, %get3A_28 : vector<512x64xf32>
    %div3A_32 = vector.broadcast %broadcast_in_dim3A_19 : vector<512x1xf32> to vector<512x64xf32>
    %div3A_33 = arith.divf %mul3A_31, %div3A_32 : vector<512x64xf32>
    %add3A = arith.addf %div3A_25, %div3A_33 : vector<512x64xf32>
    %get3A_34 = arith.constant 0 : index
    %get3A_35 = arith.constant 0 : index
    %get3A_36 = vector.load %arg5[%get3A_34, %get3A_35] : memref<1024x64xf32, #tpu.memory_space<vmem>>, vector<1024x64xf32>
    %dot_general3A = arith.constant dense<0.000000e+00> : vector<512x1024xf32>
    %dot_general3A_37 = tpu.matmul %add3A, %get3A_36, %dot_general3A {dimension_numbers = #tpu.dot_dimension_numbers<[1], [1], [0], [0], [0, 0, 1, 0], [], []>, transpose_lhs_hint = false} : vector<512x64xf32>, vector<1024x64xf32>, vector<512x1024xf32> -> vector<512x1024xf32>
    %reduce_max3A = arith.constant dense<0xFF800000> : vector<512xf32>
    %reduce_max3A_38 = vector.multi_reduction <maximumf>, %dot_general3A_37, %reduce_max3A [1] : vector<512x1024xf32> to vector<512xf32>
    %broadcast_in_dim3A_39 = vector.shape_cast %reduce_max3A_38 : vector<512xf32> to vector<512x1xf32>
    %sub3A = vector.broadcast %broadcast_in_dim3A_39 : vector<512x1xf32> to vector<512x1024xf32>
    %sub3A_40 = arith.subf %dot_general3A_37, %sub3A : vector<512x1024xf32>
    %exp3A = math.exp %sub3A_40 : vector<512x1024xf32>
    %reduce_sum3A_41 = arith.constant dense<0.000000e+00> : vector<512xf32>
    %reduce_sum3A_42 = vector.multi_reduction <add>, %exp3A, %reduce_sum3A_41 [1] : vector<512x1024xf32> to vector<512xf32>
    %broadcast_in_dim3A_43 = vector.shape_cast %reduce_sum3A_42 : vector<512xf32> to vector<512x1xf32>
    %div3A_44 = vector.broadcast %broadcast_in_dim3A_43 : vector<512x1xf32> to vector<512x1024xf32>
    %div3A_45 = arith.divf %exp3A, %div3A_44 : vector<512x1024xf32>
    %dot_general3A_46 = arith.constant dense<0.000000e+00> : vector<512x64xf32>
    %dot_general3A_47 = tpu.matmul %div3A_45, %get3A_36, %dot_general3A_46 {dimension_numbers = #tpu.dot_dimension_numbers<[1], [0], [0], [1], [0, 0, 1, 1], [], []>, transpose_lhs_hint = false} : vector<512x1024xf32>, vector<1024x64xf32>, vector<512x64xf32> -> vector<512x64xf32>
    %mul3A_48 = arith.mulf %add3A, %add3A : vector<512x64xf32>
    %reduce_sum3A_49 = arith.constant dense<0.000000e+00> : vector<512xf32>
    %reduce_sum3A_50 = vector.multi_reduction <add>, %mul3A_48, %reduce_sum3A_49 [1] : vector<512x64xf32> to vector<512xf32>
    %broadcast_in_dim3A_51 = vector.shape_cast %reduce_sum3A_50 : vector<512xf32> to vector<512x1xf32>
    %sqrt3A = math.sqrt %broadcast_in_dim3A_51 : vector<512x1xf32>
    %mul3A_52 = arith.mulf %dot_general3A_47, %dot_general3A_47 : vector<512x64xf32>
    %reduce_sum3A_53 = arith.constant dense<0.000000e+00> : vector<512xf32>
    %reduce_sum3A_54 = vector.multi_reduction <add>, %mul3A_52, %reduce_sum3A_53 [1] : vector<512x64xf32> to vector<512xf32>
    %broadcast_in_dim3A_55 = vector.shape_cast %reduce_sum3A_54 : vector<512xf32> to vector<512x1xf32>
    %sqrt3A_56 = math.sqrt %broadcast_in_dim3A_55 : vector<512x1xf32>
    %mul3A_57 = arith.mulf %sqrt3A_56, %sqrt3A : vector<512x1xf32>
    %max3A = arith.constant 9.99999993E-9 : f32
    %max3A_58 = vector.broadcast %max3A : f32 to vector<512x1xf32>
    %max3A_59 = arith.maximumf %mul3A_57, %max3A_58 : vector<512x1xf32>
    %mul3A_60 = arith.mulf %dot_general3A_47, %add3A : vector<512x64xf32>
    %reduce_sum3A_61 = arith.constant dense<0.000000e+00> : vector<512xf32>
    %reduce_sum3A_62 = vector.multi_reduction <add>, %mul3A_60, %reduce_sum3A_61 [1] : vector<512x64xf32> to vector<512xf32>
    %broadcast_in_dim3A_63 = vector.shape_cast %reduce_sum3A_62 : vector<512xf32> to vector<512x1xf32>
    %div3A_64 = arith.divf %broadcast_in_dim3A_63, %max3A_59 : vector<512x1xf32>
    %max3A_65 = arith.constant 9.99999968E-21 : f32
    %max3A_66 = vector.broadcast %max3A_65 : f32 to vector<512x1xf32>
    %max3A_67 = arith.maximumf %sqrt3A, %max3A_66 : vector<512x1xf32>
    %div3A_68 = vector.broadcast %max3A_67 : vector<512x1xf32> to vector<512x64xf32>
    %div3A_69 = arith.divf %add3A, %div3A_68 : vector<512x64xf32>
    %max3A_70 = arith.constant 9.99999968E-21 : f32
    %max3A_71 = vector.broadcast %max3A_70 : f32 to vector<512x1xf32>
    %max3A_72 = arith.maximumf %sqrt3A_56, %max3A_71 : vector<512x1xf32>
    %div3A_73 = vector.broadcast %max3A_72 : vector<512x1xf32> to vector<512x64xf32>
    %div3A_74 = arith.divf %dot_general3A_47, %div3A_73 : vector<512x64xf32>
    %get3A_75 = arith.constant 0 : index
    %get3A_76 = arith.constant 0 : index
    %get3A_77 = vector.load %arg7[%get3A_75, %get3A_76] : memref<1x64xf32, #tpu.memory_space<vmem>>, vector<1x64xf32>
    %reduce_sum3A_78 = arith.constant dense<0.000000e+00> : vector<64xf32>
    %reduce_sum3A_79 = vector.multi_reduction <add>, %div3A_69, %reduce_sum3A_78 [0] : vector<512x64xf32> to vector<64xf32>
    %broadcast_in_dim3A_80 = vector.shape_cast %reduce_sum3A_79 : vector<64xf32> to vector<1x64xf32>
    %add3A_81 = arith.addf %get3A_77, %broadcast_in_dim3A_80 : vector<1x64xf32>
    %swap3A = arith.constant 0 : index
    %swap3A_82 = arith.constant 0 : index
    %swap3A_83 = vector.load %arg7[%swap3A, %swap3A_82] : memref<1x64xf32, #tpu.memory_space<vmem>>, vector<1x64xf32>
    tpu.vector_store %arg7[%swap3A, %swap3A_82], %add3A_81 {strides = array<i32>} : memref<1x64xf32, #tpu.memory_space<vmem>>, vector<1x64xf32>,
    %get3A_84 = arith.constant 0 : index
    %get3A_85 = arith.constant 0 : index
    %get3A_86 = vector.load %arg8[%get3A_84, %get3A_85] : memref<1x64xf32, #tpu.memory_space<vmem>>, vector<1x64xf32>
    %reduce_sum3A_87 = arith.constant dense<0.000000e+00> : vector<64xf32>
    %reduce_sum3A_88 = vector.multi_reduction <add>, %div3A_74, %reduce_sum3A_87 [0] : vector<512x64xf32> to vector<64xf32>
    %broadcast_in_dim3A_89 = vector.shape_cast %reduce_sum3A_88 : vector<64xf32> to vector<1x64xf32>
    %add3A_90 = arith.addf %get3A_86, %broadcast_in_dim3A_89 : vector<1x64xf32>
    %swap3A_91 = arith.constant 0 : index
    %swap3A_92 = arith.constant 0 : index
    %swap3A_93 = vector.load %arg8[%swap3A_91, %swap3A_92] : memref<1x64xf32, #tpu.memory_space<vmem>>, vector<1x64xf32>
    tpu.vector_store %arg8[%swap3A_91, %swap3A_92], %add3A_90 {strides = array<i32>} : memref<1x64xf32, #tpu.memory_space<vmem>>, vector<1x64xf32>,
    %get3A_94 = arith.constant 0 : index
    %get3A_95 = memref.load %arg9[%get3A_94] : memref<1xf32, #tpu.memory_space<smem>>
    %reduce_sum3A_96 = vector.shape_cast %div3A_64 : vector<512x1xf32> to vector<1x512x1xf32>
    %reduce_sum3A_97 = arith.constant dense<0.000000e+00> : vector<1xf32>
    %reduce_sum3A_98 = vector.multi_reduction <add>, %reduce_sum3A_96, %reduce_sum3A_97 [1, 2] : vector<1x512x1xf32> to vector<1xf32>
    %reduce_sum3A_99 = vector.shape_cast %reduce_sum3A_98 : vector<1xf32> to vector<1x1x1xf32>
    %reduce_sum3A_100 = vector.extract %reduce_sum3A_99[0, 0, 0] : f32 from vector<1x1x1xf32>
    %add3A_101 = arith.addf %get3A_95, %reduce_sum3A_100 : f32
    %swap3A_102 = arith.constant 0 : index
    %swap3A_103 = memref.load %arg9[%swap3A_102] : memref<1xf32, #tpu.memory_space<smem>>
    memref.store %add3A_101, %arg9[%swap3A_102] : memref<1xf32, #tpu.memory_space<smem>>
    %eq3A_104 = arith.constant 7 : i32
    %eq3A_105 = arith.cmpi eq, %arg0, %eq3A_104 : i32
    %convert_element_type3A_106 = arith.extui %eq3A_105 : i1 to i32
    %cond3A_107 = arith.constant 0 : i32
    %cond3A_108 = arith.cmpi ne, %convert_element_type3A_106, %cond3A_107 : i32
    scf.if %cond3A_108 {
      %mul3A_109 = arith.constant 4.096000e+03 : f32
      %mul3A_110 = arith.constant 4.096000e+03 : f32
      %mul3A_111 = arith.mulf %mul3A_109, %mul3A_110 : f32
      %get3A_112 = arith.constant 0 : index
      %get3A_113 = arith.constant 0 : index
      %get3A_114 = vector.load %arg7[%get3A_112, %get3A_113] : memref<1x64xf32, #tpu.memory_space<vmem>>, vector<1x64xf32>
      %get3A_115 = arith.constant 0 : index
      %get3A_116 = arith.constant 0 : index
      %get3A_117 = vector.load %arg8[%get3A_115, %get3A_116] : memref<1x64xf32, #tpu.memory_space<vmem>>, vector<1x64xf32>
      %mul3A_118 = arith.mulf %get3A_114, %get3A_117 : vector<1x64xf32>
      %reduce_sum3A_119 = vector.shape_cast %mul3A_118 : vector<1x64xf32> to vector<1x1x64xf32>
      %reduce_sum3A_120 = arith.constant dense<0.000000e+00> : vector<1xf32>
      %reduce_sum3A_121 = vector.multi_reduction <add>, %reduce_sum3A_119, %reduce_sum3A_120 [1, 2] : vector<1x1x64xf32> to vector<1xf32>
      %reduce_sum3A_122 = vector.shape_cast %reduce_sum3A_121 : vector<1xf32> to vector<1x1x1xf32>
      %reduce_sum3A_123 = vector.extract %reduce_sum3A_122[0, 0, 0] : f32 from vector<1x1x1xf32>
      %add3A_124 = arith.addf %mul3A_111, %reduce_sum3A_123 : f32
      %get3A_125 = arith.constant 0 : index
      %get3A_126 = memref.load %arg9[%get3A_125] : memref<1xf32, #tpu.memory_space<smem>>
      %mul3A_127 = arith.constant 2.000000e+00 : f32
      %mul3A_128 = arith.mulf %mul3A_127, %get3A_126 : f32
      %sub3A_129 = arith.subf %add3A_124, %mul3A_128 : f32
      %broadcast_in_dim3A_130 = vector.broadcast %sub3A_129 : f32 to vector<1x1xf32>
      %swap3A_131 = arith.constant 0 : index
      %swap3A_132 = arith.constant 0 : index
      %swap3A_133 = vector.load %arg6[%swap3A_131, %swap3A_132] : memref<1x1xf32, #tpu.memory_space<vmem>>, vector<1x1xf32>
      tpu.vector_store %arg6[%swap3A_131, %swap3A_132], %broadcast_in_dim3A_130 {strides = array<i32>} : memref<1x1xf32, #tpu.memory_space<vmem>>, vector<1x1xf32>,
    } else {
    }
    return
  }
  func.func @transform_0(%arg0: i32) -> (i32, i32) {
    %c0_i32 = arith.constant 0 : i32
    %c0_i32_0 = arith.constant 0 : i32
    return %arg0, %c0_i32 : i32, i32
  }
  func.func @transform_1(%arg0: i32) -> (i32, i32) {
    %c0_i32 = arith.constant 0 : i32
    %c0_i32_0 = arith.constant 0 : i32
    return %arg0, %c0_i32 : i32, i32
  }
  func.func @transform_2(%arg0: i32) -> (i32, i32) {
    %c0_i32 = arith.constant 0 : i32
    %c0_i32_0 = arith.constant 0 : i32
    return %arg0, %c0_i32 : i32, i32
  }
  func.func @transform_3(%arg0: i32) -> (i32, i32) {
    %c0_i32 = arith.constant 0 : i32
    %c0_i32_0 = arith.constant 0 : i32
    return %arg0, %c0_i32 : i32, i32
  }
  func.func @transform_4(%arg0: i32) -> (i32, i32) {
    %c0_i32 = arith.constant 0 : i32
    %c0_i32_0 = arith.constant 0 : i32
    %c0_i32_1 = arith.constant 0 : i32
    return %c0_i32, %c0_i32_0 : i32, i32
  }
  func.func @transform_5(%arg0: i32) -> (i32, i32) {
    %c0_i32 = arith.constant 0 : i32
    %c0_i32_0 = arith.constant 0 : i32
    %c0_i32_1 = arith.constant 0 : i32
    return %c0_i32, %c0_i32_0 : i32, i32
  }
}

</mosaic_0001>

<sc_bundles>
// kernel: kernel.4.cloned.1.call-start
scs
__scs_entry_jumppad:
0x0: {  	(pc) =	sbr.rel $0x88, $3  }
0x1: {  	(tag) =	ssettag $0x0;
	lr =	simm.s32 $0x1  }
0x2: {  	[smem:$0x3F9D] =	sst lr;
	_ =	strace $0xD0000000  }
0x3: {  	_ = 	snop  }
0x4: {  	_ = 	snop  }
0x5: {  	_ = 	snop  }
0x6: {  	_ = 	snop  }
0x7: {  	_ = 	snop  }
__scs_overlays_trampoline_lowered:
0x8: {  	[smem:$0x3FAC] =	sst s0  }
0x9: {  	[smem:$0x3FAD] =	sst s1  }
0xa: {  	[smem:$0x3FAE] =	sst s2  }
0xb: {  	[smem:$0x3FAF] =	sst s3  }
0xc: {  	[smem:$0x3FB0] =	sst s4  }
0xd: {  	[smem:$0x3FB1] =	sst s5  }
0xe: {  	[smem:$0x3FB2] =	sst s6  }
0xf: {  	[smem:$0x3FB3] =	sst s7  }
0x10: {  	[smem:$0x3FB4] =	sst s8  }
0x11: {  	[smem:$0x3FB5] =	sst s9;
	s0 =	simm.s32 @!p0 $0x0  }
0x12: {  	s1 =	sld [smem:$0x3F9B];
	s0 =	simm.s32 @p0 $0x1  }
0x13: {  	[smem:$0x3FB6] =	sst s0;
	s0 =	simm.s32 @!p1 $0x0  }
0x14: {  	s2 =	sld [smem:$0x3F9A];
	s0 =	simm.s32 @p1 $0x1  }
0x15: {  	[smem:$0x3FB7] =	sst s0;
	s0 =	simm.s32 @!p2 $0x0  }
0x16: {  	s3 =	sld [smem:$0x3FDB];
	s0 =	simm.s32 @p2 $0x1  }
0x17: {  	s4 =	simm.s32 $0x1BF5;
	[smem:$0x3FB9] =	sst s0  }
0x18: {  	s0 =	sld [smem:$0x3F9C];
	_ =	swait.ge [sflag:s4], $0x0  }
0x19: {  	s7 =	sld [smem:$0x3F9D]  }
0x1a: {  	s8 =	sadd.s32 $0xFFFFE003, lr  }
0x1b: {  	s9 =	sadd.s32 $0xFFFFFEF7, lr;
	s5 =	simm.s32 $0xFFFFFFFF;
	p2 =	slt.u32 s8, $0xFFFFF086  }
0x1c: {  	p1 =	slt.u32 s9, $0xF7A;
	s5 =	simm.s32 @!p2 $0x0  }
0x1d: {  	s5 =	simm.s32 @p1 $0x1;
	p0 =	seq.s32 s7, s2  }
0x1e: {  	s7 =	smul.u32 @!p0 $0xF7A, s2;
	p2 =	seq.s32 @!p0 s5, $0x0  }
0x1f: {  	s9 =	smul.u32 $0xF7A, s1;
	s8 =	simm.s32 @!p0 $0x1BF5;
	p2 =	por !p2, p0  }
0x20: {  	[sflag:s8] =	ssyncset.s32 @!p0 $0xFFFFF086;
	s6 =	sadd.s32 @!p0 s3, s7;
	s7 =	simm.s32 @!p0 $0x108  }
0x21: {  	s3 =	sadd.s32 s3, s9;
	s6 =	sadd.s32 @!p0 $0x88, s6;
	s7 =	simm.s32 @p2 $0x1082  }
0x22: {  	[simem:s7], [sflag:s8] =	dma.local @!p0 [hbm:s6], $0xF7A  }
0x23: {  	s9 =	sor.u32 $0xD0000000, s2;
	s6 =	simm.s32 $0x108;
	_ =	swait.ge @!p0 [sflag:s8], $0x0  }
0x24: {  	s3 =	sadd.s32 $0x88, s3;
	s6 =	simm.s32 @!p1 $0x1082;
	[sflag:s4] =	ssyncset.s32 $0xFFFFF086  }
0x25: {  	[simem:s6], [sflag:s4] =	dma.local [hbm:s3], $0xF7A  }
0x26: {  	[smem:$0x3F9D] =	sst s1;
	(tag) =	ssettag s2;
	_ =	strace s9  }
0x27: {  	s1 =	sld [smem:$0x3FAD]  }
0x28: {  	s2 =	sld [smem:$0x3FAE]  }
0x29: {  	s4 =	sld [smem:$0x3FB0]  }
0x2a: {  	p0 =	seq.s32 s5, $0x0;
	s5 =	sld [smem:$0x3FB1]  }
0x2b: {  	s6 =	sld [smem:$0x3FB2]  }
0x2c: {  	s7 =	sld [smem:$0x3FB3]  }
0x2d: {  	s3 =	simm.s32 $0x108;
	s8 =	sld [smem:$0x3FB4]  }
0x2e: {  	s3 =	simm.s32 @!p0 $0x1082;
	s9 =	sld [smem:$0x3FB5]  }
0x2f: {  	lr =	sadd.s32 s0, s3;
	s0 =	sld [smem:$0x3FAC]  }
0x30: {  	s3 =	sld [smem:$0x3FAF]  }
0x31: {  	[smem:$0x3FB8] =	sst s10  }
0x32: {  	s10 =	sld [smem:$0x3FB6];
	_ =	sdelay $0x3  }
0x33: {  	p0 =	seq.s32 s10, $0x1;
	s10 =	sld [smem:$0x3FB8];
	_ =	sdelay $0x3  }
0x34: {  	[smem:$0x3FB8] =	sst s10  }
0x35: {  	s10 =	sld [smem:$0x3FB7];
	_ =	sdelay $0x3  }
0x36: {  	p1 =	seq.s32 s10, $0x1;
	s10 =	sld [smem:$0x3FB8];
	_ =	sdelay $0x3  }
0x37: {  	[smem:$0x3FB8] =	sst s10  }
0x38: {  	s10 =	sld [smem:$0x3FB9]  }
0x39: {  	_ = 	snop;
	(pc) =	sbr.ind lr, $3  }
0x3a: {  	_ = 	snop  }
0x3b: {  	_ = 	snop  }
0x3c: {  	p2 =	seq.s32 s10, $0x1;
	s10 =	sld [smem:$0x3FB8]  }
0x3d: {  	_ =	shalt  }
0x3e: {  	_ =	shalt  }
0x3f: {  	_ =	shalt  }
0x40: {  	_ =	shalt  }
0x41: {  	_ =	shalt  }
0x42: {  	_ =	shalt  }
0x43: {  	_ =	shalt  }
0x44: {  	_ =	shalt  }
0x45: {  	_ =	shalt  }
0x46: {  	_ =	shalt  }
0x47: {  	_ =	shalt  }
0x48: {  	_ =	shalt  }
0x49: {  	_ =	shalt  }
0x4a: {  	_ =	shalt  }
0x4b: {  	_ =	shalt  }
0x4c: {  	_ =	shalt  }
0x4d: {  	_ =	shalt  }
0x4e: {  	_ =	shalt  }
0x4f: {  	_ =	shalt  }
0x50: {  	_ =	shalt  }
0x51: {  	_ =	shalt  }
0x52: {  	_ =	shalt  }
0x53: {  	_ =	shalt  }
0x54: {  	_ =	shalt  }
0x55: {  	_ =	shalt  }
0x56: {  	_ =	shalt  }
0x57: {  	_ =	shalt  }
0x58: {  	_ =	shalt  }
0x59: {  	_ =	shalt  }
0x5a: {  	_ =	shalt  }
0x5b: {  	_ =	shalt  }
0x5c: {  	_ =	shalt  }
0x5d: {  	_ =	shalt  }
0x5e: {  	_ =	shalt  }
0x5f: {  	_ =	shalt  }
0x60: {  	_ =	shalt  }
0x61: {  	_ =	shalt  }
0x62: {  	_ =	shalt  }
0x63: {  	_ =	shalt  }
0x64: {  	_ =	shalt  }
0x65: {  	_ =	shalt  }
0x66: {  	_ =	shalt  }
0x67: {  	_ =	shalt  }
0x68: {  	_ =	shalt  }
0x69: {  	_ =	shalt  }
0x6a: {  	_ =	shalt  }
0x6b: {  	_ =	shalt  }
0x6c: {  	_ =	shalt  }
0x6d: {  	_ =	shalt  }
0x6e: {  	_ =	shalt  }
0x6f: {  	_ =	shalt  }
0x70: {  	_ =	shalt  }
0x71: {  	_ =	shalt  }
0x72: {  	_ =	shalt  }
0x73: {  	_ =	shalt  }
0x74: {  	_ =	shalt  }
0x75: {  	_ =	shalt  }
0x76: {  	_ =	shalt  }
0x77: {  	_ =	shalt  }
0x78: {  	_ =	shalt  }
0x79: {  	_ =	shalt  }
0x7a: {  	_ =	shalt  }
0x7b: {  	_ =	shalt  }
0x7c: {  	_ =	shalt  }
0x7d: {  	_ =	shalt  }
0x7e: {  	_ =	shalt  }
0x7f: {  	_ =	shalt  }
0x80: {  	_ =	shalt  }
0x81: {  	_ =	shalt  }
0x82: {  	_ =	shalt  }
0x83: {  	_ =	shalt  }
0x84: {  	_ =	shalt  }
0x85: {  	_ =	shalt  }
0x86: {  	_ =	shalt  }
0x87: {  	_ =	shalt  }
.Lfunc_end0:
.L_simem_size_0:
called_computation_lowered:
.L_overlay_start_0:
0x88: {  	s2 =	sld [smem:$0x3FD9]  }
0x89: {  	s3 =	sld [smem:$0x3FFE];
	_ =	sdelay $0x1  }
0x8a: {  	s1 =	srdreg.scid  }
0x8b: {  	s0 =	sand.u32 $0x1, s1  }
0x8c: {  	s16 =	sshll.u32 s0, $0xA;
	s2 =	sadd.s32 s3, s2  }
0x8d: {  	s2 =	sadd.s32 s2, s16  }
0x8e: {  	[smem:$0x3FC4] =	sst s2  }
0x8f: {  	_ = 	snop  }
0x90: {  	(tm) =	ssettm $0x1  }
0x91: {  	s17 =	sld [smem:$0x3FFB];
	_ =	sdelay $0x3  }
0x92: {  	_ =	strace s17  }
0x93: {  	s2 =	sld [smem:$0x3FFC];
	_ =	sdelay $0x3  }
0x94: {  	_ =	strace s2  }
0x95: {  	s2 =	sld [smem:$0x3FFD];
	_ =	sdelay $0x3  }
0x96: {  	_ =	strace s2  }
0x97: {  	_ =	strace $0x8FFFFFFF  }
0x98: {  	s18 =	sld [smem:$0x3FDB];
	_ =	sdelay $0x1  }
0x99: {  	s19 =	simm.s32 $_scs_section_size  }
0x9a: {  	s4 =	simm.s32 $_size__tile_overlayer_lowered;
	s5 =	simm.s32 $_tile_overlayer_lowered  }
0x9b: {  	s22 =	simm.s32 $0x1BFF;
	s21 =	sshll.u32 s5, $0x1;
	s2 =	sadd.s32 s19, s18  }
0x9c: {  	s6 =	simm.s32 $0x0;
	s20 =	sshll.u32 s4, $0x1;
	s4 =	sadd.s32 s21, s2  }
0x9d: {  	[timem:s6], [sflag:s22] =	dma.local [hbm:s4], s20  }
0x9e: {  	_ =	swait.ge [sflag:s22], s20  }
0x9f: {  	s3 =	ssub.s32 $0x0, s20;
	[sflag:s22] =	ssyncset.done $0x0  }
0xa0: {  	[sflag:s22] =	ssyncadd.s32 s3;
	_ =	sdelay $0x1  }
0xa1: {  	s23 =	simm.s32 $0x1B8B  }
0xa2: {  	_ =	swait.ge [sflag:s23], $0x1  }
0xa3: {  	[sflag:s23] =	ssyncset.done $0x0  }
0xa4: {  	s25 =	simm.s32 $0x1B8E;
	s24 =	sld [smem:$0x3FFE];
	[sflag:s23] =	ssyncadd.s32 $0xFFFFFFFF  }
0xa5: {  	s26 =	simm.s32 $execute0_lowered;
	[smem:$0x3FD2] =	sst s25  }
0xa6: {  	s4 =	sshll.u32 s26, $0x1;
	_ =	strace $0x80000046;
	[dreg:$0x1] =	wrdreg $0xFFFFFFFF  }
0xa7: {  	s28 =	simm.s32 $_size_execute0_lowered;
	s2 =	sadd.s32 s2, s4;
	[dreg:$0x0] =	wrdreg $0x0  }
0xa8: {  	s4 =	sshll.u32 s28, $0x1;
	[dreg:$0x2] =	wrdreg s2  }
0xa9: {  	[dreg:$0x3] =	wrdreg s4  }
0xaa: {  	[dreg:$0x4] =	wrdreg $0xC0  }
0xab: {  	_ =	task [dreg:s6], $0x5FFFF  }
0xac: {  	[dreg:$0x1] =	wrdreg $0xFFFFFFFF  }
0xad: {  	[dreg:$0x0] =	wrdreg $0x60  }
0xae: {  	[dreg:$0x2] =	wrdreg s24  }
0xaf: {  	[dreg:$0x3] =	wrdreg $0x9  }
0xb0: {  	_ =	task.clear_ibuf [dreg:s6], $0x4FFFF;
	_ =	strace $0x90000046  }
0xb1: {  	s29 =	simm.s32 $0x9;
	_ =	strace $0x80000048  }
0xb2: {  	_ =	swait.ge [sflag:s29], $0x1  }
0xb3: {  	[sflag:s29] =	ssyncadd.s32 $0xFFFFFFFF  }
0xb4: {  	_ =	strace $0x90000048  }
0xb5: {  	_ =	sfence  }
0xb6: {  	s30 =	sld [smem:$0x0];
	_ =	sdelay $0x2  }
0xb7: {  	s31 =	sshll.u32 s1, $0xD;
	s1 =	sshrl.u32 s1, $0x2  }
0xb8: {  	s3 =	sand.u32 $0x4000, s31;
	s1 =	sadd.s32 s1, s30  }
0xb9: {  	s0 =	sor.u32 s3, s0;
	s1 =	sshll.u32 s1, $0x11  }
0xba: {  	s0 =	sor.u32 s1, s0  }
0xbb: {  	s0 =	sadd.s32 $0x8F2B, s0  }
0xbc: {  	[sflag:s0] =	ssyncadd.remote.s32 $0x1  }
0xbd: {  	_ =	sfence.sel $0xFFFF  }
0xbe: {  	[dreg:$0x0] =	wrdreg $0xFFFFFFFF;
	(pc) =	sbr.abs _section_cstart, $3  }
0xbf: {  	[dreg:$0x1] =	wrdreg $0xFFFFFFFF  }
0xc0: {  	_ =	task.clear_ibuf [dreg:s6], $0x2FFFF;
	_ =	strace $0x9FFFFFFF  }
0xc1: {  	(tm) =	ssettm $0x7FFFFFFF  }
tec
execute0_lowered:
.L_overlay_start_1:
0x0: {  	(tag) =	ssettag $0x1  }
0x1: {  	s1 =	srdreg.scid  }
0x2: {  	s0 =	stileid.u32;
	s4 =	rddreg [dreg:$0x0]  }
0x3: {  	s2 =	simm.s32 $0x0;
	s11 =	simm.s32 $0x28;
	s12 =	simm.s32 $0x6E00  }
0x4: {  	s13 =	simm.s32 $0x50;
	s14 =	simm.s32 $0x7800;
	s15 =	simm.s32 $0x8C00  }
0x5: {  	s16 =	simm.s32 $0xA000;
	s17 =	simm.s32 $0xB400;
	s18 =	simm.s32 $0xC800  }
0x6: {  	s19 =	simm.s32 $0x1;
	s20 =	simm.s32 $0xDC00;
	s21 =	simm.s32 $0xFC00  }
0x7: {  	s5 =	sand.u32 $0x1, s1;
	s3 =	sshll.u32 s0, $0x1;
	s1 =	rddreg [dreg:$0x1]  }
0x8: {  	s22 =	simm.s32 $0x0;
	[smem:$0x7FF] =	sst s2;
	s6 =	sor.u32 s5, s3  }
0x9: {  	_ =	strace $0x80000047;
	s5 =	ssub.s32 $0x2, s5;
	s7 =	smul.u32 $0x140, s6  }
0xa: {  	s8 =	smul.u32 $0xC80, s6;
	s6 =	sshll.u32 s6, $0xA;
	s9 =	sshrl.u32 s5, $0x1  }
0xb: {  	s3 =	sadd.s32 $0xF43A00, s4;
	s10 =	sadd.s32 s6, s4;
	s9 =	ssub.s32 s5, s9  }
0xc: {  	s7 =	sadd.s32 s7, s4;
	s8 =	sadd.s32 s8, s4;
	s6 =	sadd.s32 $0x4CE00, s10  }
0xd: {  	s4 =	sadd.s32 $0x1600, s7;
	s5 =	sadd.s32 $0x33E00, s8;
	s7 =	sadd.s32 $0x54E00, s10  }
0xe: {  	s8 =	smax.u32 s9, $0x1;
	s9 =	simm.s32 $0x2;
	s10 =	simm.s32 $0xA00  }
.LBB2_1:
0xf: {  	[tilespmem:s2], [sflag:$0x2] =	stream.linear.gather [hbm4b:s4+s2], $0xA00, $0x38;
	[tilespmem:$0x11C00] =	vst v63  }
0x10: {  	_ =	swait.ge [sflag:s9], $0xA00  }
0x11: {  	[sflag:s9] =	ssyncset.done $0x0  }
0x12: {  	[sflag:s9] =	ssyncadd.s32 $0xFFFFF600  }
0x13: {  	[tilespmem:s10], [sflag:$0x2] =	stream.linear.gather [hbm4b:s5+s2], $0x6400, $0x38;
	[tilespmem:$0x11C00] =	vst v63  }
0x14: {  	_ =	swait.ge [sflag:s9], $0x6400  }
0x15: {  	[sflag:s9] =	ssyncset.done $0x0  }
0x16: {  	s23 =	simm.s32 $0x0;
	[sflag:s9] =	ssyncadd.s32 $0xFFFF9C00  }
.LBB2_2:
0x17: {  	s24 =	smul.u32 $0xA0, s23  }
0x18: {  	s25 =	smul.u32 $0x640, s23;
	_ =	sdelay $0x1  }
0x19: {  	s24 =	sshra.s32 s24, $0x2;
	s28 =	sshra.s32 s25, $0x2  }
0x1a: {  	[tilespmem:s12], [sflag:$0x1] =	stream.indirect.gather [hbm4b:s3+s11], $0x40, s24, s11, $0xb8;
	[tilespmem:$0x11C00] =	vst v63  }
0x1b: {  	s25 =	sadd.s32 $0xA00, s28  }
0x1c: {  	[tilespmem:s14], [sflag:$0x1] =	stream.indirect.gather [hbm4b:s3+s13], $0x40, s25, s13, $0xb8;
	[tilespmem:$0x11C00] =	vst v63  }
0x1d: {  	s29 =	sadd.s32 $0xA50, s28  }
0x1e: {  	[tilespmem:s15], [sflag:$0x1] =	stream.indirect.gather [hbm4b:s3+s13], $0x40, s29, s13, $0xb8;
	[tilespmem:$0x11C00] =	vst v63  }
0x1f: {  	s30 =	sadd.s32 $0xAA0, s28  }
0x20: {  	[tilespmem:s16], [sflag:$0x1] =	stream.indirect.gather [hbm4b:s3+s13], $0x40, s30, s13, $0xb8;
	[tilespmem:$0x11C00] =	vst v63  }
0x21: {  	s31 =	sadd.s32 $0xAF0, s28  }
0x22: {  	[tilespmem:s17], [sflag:$0x1] =	stream.indirect.gather [hbm4b:s3+s13], $0x40, s31, s13, $0xb8;
	[tilespmem:$0x11C00] =	vst v63  }
0x23: {  	s24 =	sadd.s32 $0xB40, s28  }
0x24: {  	[tilespmem:s18], [sflag:$0x1] =	stream.indirect.gather [hbm4b:s3+s13], $0x40, s24, s13, $0xb8;
	[tilespmem:$0x11C00] =	vst v63  }
0x25: {  	_ =	swait.ge [sflag:s19], $0xA00  }
0x26: {  	[sflag:s19] =	ssyncset.done $0x0  }
0x27: {  	[sflag:s19] =	ssyncadd.s32 $0xFFFFF600  }
0x28: {  	_ =	swait.ge [sflag:s19], $0x1400  }
0x29: {  	[sflag:s19] =	ssyncset.done $0x0  }
0x2a: {  	[sflag:s19] =	ssyncadd.s32 $0xFFFFEC00  }
0x2b: {  	_ =	swait.ge [sflag:s19], $0x1400  }
0x2c: {  	[sflag:s19] =	ssyncset.done $0x0  }
0x2d: {  	[sflag:s19] =	ssyncadd.s32 $0xFFFFEC00  }
0x2e: {  	_ =	swait.ge [sflag:s19], $0x1400  }
0x2f: {  	[sflag:s19] =	ssyncset.done $0x0  }
0x30: {  	[sflag:s19] =	ssyncadd.s32 $0xFFFFEC00  }
0x31: {  	_ =	swait.ge [sflag:s19], $0x1400  }
0x32: {  	[sflag:s19] =	ssyncset.done $0x0  }
0x33: {  	[sflag:s19] =	ssyncadd.s32 $0xFFFFEC00  }
0x34: {  	_ =	swait.ge [sflag:s19], $0x1400  }
0x35: {  	[sflag:s19] =	ssyncset.done $0x0  }
0x36: {  	[sflag:s19] =	ssyncadd.s32 $0xFFFFEC00  }
0x37: {  	v62 =	vld [tilespmem:$0x6E00]  }
0x38: {  	v41 =	vld [tilespmem:$0x6E10]  }
0x39: {  	v0 =	vld [tilespmem:$0x6E20]  }
0x3a: {  	v15 =	vld [tilespmem:$0x6E40]  }
0x3b: {  	v45 =	vld [tilespmem:$0x6E50]  }
0x3c: {  	v42 =	vld [tilespmem:$0x6E60]  }
0x3d: {  	v63 =	vld [tilespmem:$0x6E80]  }
0x3e: {  	v46 =	vld [tilespmem:$0x6E90]  }
0x3f: {  	v47 =	vld [tilespmem:$0x6ED0]  }
0x40: {  	v1 =	vld [tilespmem:$0x6EE0]  }
0x41: {  	v48 =	vld [tilespmem:$0x6F10]  }
0x42: {  	v2 =	vld [tilespmem:$0x6F20]  }
0x43: {  	v49 =	vld [tilespmem:$0x6F50]  }
0x44: {  	v3 =	vld [tilespmem:$0x6F60]  }
0x45: {  	v50 =	vld [tilespmem:$0x6F90]  }
0x46: {  	v4 =	vld [tilespmem:$0x6FA0]  }
0x47: {  	v51 =	vld [tilespmem:$0x6FD0]  }
0x48: {  	v5 =	vld [tilespmem:$0x6FE0]  }
0x49: {  	v52 =	vld [tilespmem:$0x7010]  }
0x4a: {  	v6 =	vld [tilespmem:$0x7020]  }
0x4b: {  	v53 =	vld [tilespmem:$0x7050]  }
0x4c: {  	v7 =	vld [tilespmem:$0x7060]  }
0x4d: {  	v54 =	vld [tilespmem:$0x7090]  }
0x4e: {  	v8 =	vld [tilespmem:$0x70A0]  }
0x4f: {  	v55 =	vld [tilespmem:$0x70D0]  }
0x50: {  	v9 =	vld [tilespmem:$0x70E0]  }
0x51: {  	v56 =	vld [tilespmem:$0x7110]  }
0x52: {  	v10 =	vld [tilespmem:$0x7120]  }
0x53: {  	v57 =	vld [tilespmem:$0x7150]  }
0x54: {  	v11 =	vld [tilespmem:$0x7160]  }
0x55: {  	v58 =	vld [tilespmem:$0x7190]  }
0x56: {  	v12 =	vld [tilespmem:$0x71A0]  }
0x57: {  	v59 =	vld [tilespmem:$0x71D0]  }
0x58: {  	v13 =	vld [tilespmem:$0x71E0]  }
0x59: {  	v60 =	vld [tilespmem:$0x7210]  }
0x5a: {  	v14 =	vld [tilespmem:$0x7220]  }
0x5b: {  	v43 =	vld [tilespmem:$0x7250]  }
0x5c: {  	v16 =	vld [tilespmem:$0x7260]  }
0x5d: {  	v61 =	vld [tilespmem:$0x7280]  }
0x5e: {  	s24 =	simm.s32 $0x0;
	v44 =	vld [tilespmem:$0x72C0]  }
0x5f: {  	v17 =	vld [tilespmem:s24+$0x79C0]  }
0x60: {  	v18 =	vld [tilespmem:s24+$0x7980]  }
0x61: {  	v19 =	vld [tilespmem:s24+$0x7990]  }
0x62: {  	v20 =	vld [tilespmem:s24+$0x7940]  }
0x63: {  	v21 =	vld [tilespmem:s24+$0x7950]  }
0x64: {  	v22 =	vld [tilespmem:s24+$0x7900]  }
0x65: {  	v23 =	vld [tilespmem:s24+$0x7910]  }
0x66: {  	v24 =	vld [tilespmem:s24+$0x78C0]  }
0x67: {  	v25 =	vld [tilespmem:s24+$0x78D0]  }
0x68: {  	v26 =	vld [tilespmem:s24+$0x7880]  }
0x69: {  	v27 =	vld [tilespmem:s24+$0x7890]  }
0x6a: {  	v32 =	vld [tilespmem:s24+$0x7840]  }
0x6b: {  	v33 =	vld [tilespmem:s24+$0x7850]  }
0x6c: {  	v34 =	vld [tilespmem:s24+$0x7800]  }
0x6d: {  	v36 =	vld [tilespmem:s24+$0x7810]  }
0x6e: {  	v35 =	vld [tilespmem:s24+$0x7820]  }
0x6f: {  	[tilespmem:$0x1FD70] =	vst v0;
	v0 =	vld [tilespmem:$0x6E30]  }
0x70: {  	[tilespmem:$0x1FDC0] =	vst v1;
	v1 =	vld [tilespmem:$0x6EF0]  }
0x71: {  	[tilespmem:$0x1FDE0] =	vst v2;
	v2 =	vld [tilespmem:$0x6F30]  }
0x72: {  	[tilespmem:$0x1FE00] =	vst v3;
	v3 =	vld [tilespmem:$0x6F70]  }
0x73: {  	[tilespmem:$0x1FE20] =	vst v4;
	v4 =	vld [tilespmem:$0x6FB0]  }
0x74: {  	[tilespmem:$0x1FF80] =	vst v16;
	v16 =	vld [tilespmem:$0x7270]  }
0x75: {  	[tilespmem:$0x1FE40] =	vst v5;
	v5 =	vld [tilespmem:$0x6FF0]  }
0x76: {  	[tilespmem:$0x1FE60] =	vst v6;
	v6 =	vld [tilespmem:$0x7030]  }
0x77: {  	[tilespmem:$0x1FE80] =	vst v7;
	v7 =	vld [tilespmem:$0x7070]  }
0x78: {  	[tilespmem:$0x1FEA0] =	vst v8;
	v8 =	vld [tilespmem:$0x70B0]  }
0x79: {  	[tilespmem:$0x1FF90] =	vst v16;
	v16 =	vld [tilespmem:$0x7290]  }
0x7a: {  	[tilespmem:$0x1FEC0] =	vst v9;
	v9 =	vld [tilespmem:$0x70F0]  }
0x7b: {  	[tilespmem:$0x1FEE0] =	vst v10;
	v10 =	vld [tilespmem:$0x7130]  }
0x7c: {  	[tilespmem:$0x1FF00] =	vst v11;
	v11 =	vld [tilespmem:$0x7170]  }
0x7d: {  	[tilespmem:$0x1FF20] =	vst v12;
	v12 =	vld [tilespmem:$0x71B0]  }
0x7e: {  	[tilespmem:$0x1FFA0] =	vst v16;
	v16 =	vld [tilespmem:$0x72A0]  }
0x7f: {  	[tilespmem:$0x1FF40] =	vst v13;
	v13 =	vld [tilespmem:$0x71F0]  }
0x80: {  	[tilespmem:$0x1FF60] =	vst v14;
	v14 =	vld [tilespmem:$0x7230]  }
0x81: {  	[tilespmem:$0x1FD80] =	vst v0;
	v0 =	vld [tilespmem:$0x6E70]  }
0x82: {  	[tilespmem:$0x1FDD0] =	vst v1;
	v1 =	vld [tilespmem:$0x6F00]  }
0x83: {  	[tilespmem:$0x1FFB0] =	vst v16;
	v16 =	vld [tilespmem:$0x72B0]  }
0x84: {  	[tilespmem:$0x1FDF0] =	vst v2;
	v2 =	vld [tilespmem:$0x6F40]  }
0x85: {  	[tilespmem:$0x1FE10] =	vst v3;
	v3 =	vld [tilespmem:$0x6F80]  }
0x86: {  	[tilespmem:$0x1FE30] =	vst v4;
	v4 =	vld [tilespmem:$0x6FC0]  }
0x87: {  	[tilespmem:$0x1FE50] =	vst v5;
	v5 =	vld [tilespmem:$0x7000]  }
0x88: {  	[tilespmem:$0x1FFC0] =	vst v16;
	v16 =	vld [tilespmem:$0x72D0]  }
0x89: {  	[tilespmem:$0x1FE70] =	vst v6;
	v6 =	vld [tilespmem:$0x7040]  }
0x8a: {  	[tilespmem:$0x1FE90] =	vst v7;
	v7 =	vld [tilespmem:$0x7080]  }
0x8b: {  	[tilespmem:$0x1FEB0] =	vst v8;
	v8 =	vld [tilespmem:$0x70C0]  }
0x8c: {  	[tilespmem:$0x1FD90] =	vst v0;
	v0 =	vld [tilespmem:$0x6EA0]  }
0x8d: {  	[tilespmem:$0x1FFD0] =	vst v16;
	v16 =	vld [tilespmem:$0x72E0]  }
0x8e: {  	[tilespmem:$0x1FED0] =	vst v9;
	v9 =	vld [tilespmem:$0x7100]  }
0x8f: {  	[tilespmem:$0x1FEF0] =	vst v10;
	v10 =	vld [tilespmem:$0x7140]  }
0x90: {  	[tilespmem:$0x1FF10] =	vst v11;
	v11 =	vld [tilespmem:$0x7180]  }
0x91: {  	[tilespmem:$0x1FDA0] =	vst v0;
	v0 =	vld [tilespmem:$0x6EB0]  }
0x92: {  	[tilespmem:$0x1FFE0] =	vst v16;
	v16 =	vld [tilespmem:$0x72F0]  }
0x93: {  	[tilespmem:$0x1FF30] =	vst v12;
	v12 =	vld [tilespmem:$0x71C0]  }
0x94: {  	[tilespmem:$0x1FF50] =	vst v13;
	v13 =	vld [tilespmem:$0x7200]  }
0x95: {  	[tilespmem:$0x1FF70] =	vst v14;
	v14 =	vld [tilespmem:$0x7240]  }
0x96: {  	v28 =	vimm.f32 $0.0e+00;
	[tilespmem:$0x1FDB0] =	vst v0;
	v0 =	vld [tilespmem:$0x6EC0]  }
0x97: {  	v31 =	vimm.f32 $0.0e+00;
	v29 =	vimm.f32 $0.0e+00;
	v30 =	vimm.f32 $0.0e+00;
	s25 =	simm.s32 $0x800;
	[tilespmem:$0x1FFF0] =	vst v16;
	v16 =	vld [tilespmem:s24+$0x79D0]  }
.LBB2_3:
0x98: {  	p0 =	sne.s32 s25, $0xC000;
	v37 =	vld [tilespmem:s24+$0x7830]  }
0x99: {  	v38 =	vld [tilespmem:s24+$0x7860]  }
0x9a: {  	v39 =	vld [tilespmem:s24+$0x7870]  }
0x9b: {  	v40 =	vld [tilespmem:s24+$0x78A0]  }
0x9c: {  	v28 =	vadd.f32 v34, v28;
	v31 =	vadd.f32 v36, v31;
	v34 =	vld [tilespmem:s24+$0x78B0]  }
0x9d: {  	v29 =	vadd.f32 v35, v29;
	v30 =	vadd.f32 v37, v30;
	v35 =	vld [tilespmem:s24+$0x78E0]  }
0x9e: {  	v28 =	vadd.f32 v32, v28;
	v31 =	vadd.f32 v33, v31;
	v32 =	vld [tilespmem:s24+$0x78F0]  }
0x9f: {  	v29 =	vadd.f32 v38, v29;
	v30 =	vadd.f32 v39, v30;
	v33 =	vld [tilespmem:s24+$0x7920]  }
0xa0: {  	v26 =	vadd.f32 v26, v28;
	v27 =	vadd.f32 v27, v31;
	v28 =	vld [tilespmem:s24+$0x7930]  }
0xa1: {  	v29 =	vadd.f32 v40, v29;
	v30 =	vadd.f32 v34, v30;
	v31 =	vld [tilespmem:s24+$0x7960]  }
0xa2: {  	v24 =	vadd.f32 v24, v26;
	v25 =	vadd.f32 v25, v27;
	v26 =	vld [tilespmem:s24+$0x7970]  }
0xa3: {  	v27 =	vadd.f32 v35, v29;
	v29 =	vadd.f32 v32, v30;
	v30 =	vld [tilespmem:s24+$0x79A0]  }
0xa4: {  	v22 =	vadd.f32 v22, v24;
	v23 =	vadd.f32 v23, v25;
	v24 =	vld [tilespmem:s24+$0x79B0]  }
0xa5: {  	v25 =	vadd.f32 v33, v27;
	v27 =	vadd.f32 v28, v29;
	v29 =	vld [tilespmem:s24+$0x79E0]  }
0xa6: {  	v20 =	vadd.f32 v20, v22;
	v21 =	vadd.f32 v21, v23;
	v22 =	vld [tilespmem:s24+$0x79F0];
	s24 =	sshra.s32 s25, $0x2  }
0xa7: {  	v25 =	vadd.f32 v31, v25;
	v23 =	vld [tilespmem:s24+$0x79C0];
	v26 =	vadd.f32 v26, v27  }
0xa8: {  	v20 =	vadd.f32 v18, v20;
	v21 =	vadd.f32 v19, v21;
	v27 =	vld [tilespmem:s24+$0x79D0]  }
0xa9: {  	v25 =	vadd.f32 v30, v25;
	v18 =	vld [tilespmem:s24+$0x7980];
	v24 =	vadd.f32 v24, v26  }
0xaa: {  	v28 =	vadd.f32 v17, v20;
	v31 =	vadd.f32 v16, v21;
	v19 =	vld [tilespmem:s24+$0x7990]  }
0xab: {  	v29 =	vadd.f32 v29, v25;
	v20 =	vld [tilespmem:s24+$0x7940];
	v30 =	vadd.f32 v22, v24  }
0xac: {  	v21 =	vld [tilespmem:s24+$0x7950];
	v17 =	vmov v23  }
0xad: {  	v22 =	vld [tilespmem:s24+$0x7900];
	v16 =	vmov v27  }
0xae: {  	v23 =	vld [tilespmem:s24+$0x7910]  }
0xaf: {  	v24 =	vld [tilespmem:s24+$0x78C0]  }
0xb0: {  	v25 =	vld [tilespmem:s24+$0x78D0]  }
0xb1: {  	v26 =	vld [tilespmem:s24+$0x7880]  }
0xb2: {  	v27 =	vld [tilespmem:s24+$0x7890]  }
.Ltmp0:
0xb3: {  	v32 =	vld [tilespmem:s24+$0x7840];
	(pc) =	sbr.rel @p0 .LBB2_3-.Ltmp0, $4  }
0xb4: {  	v33 =	vld [tilespmem:s24+$0x7850]  }
0xb5: {  	v34 =	vld [tilespmem:s24+$0x7800]  }
0xb6: {  	v36 =	vld [tilespmem:s24+$0x7810]  }
0xb7: {  	s25 =	sadd.s32 $0x800, s25;
	v35 =	vld [tilespmem:s24+$0x7820]  }
0xb8: {  	_ =	sdelay $0x2  }
0xb9: {  	v31 =	vadd.f32 v36, v31;
	_ =	sdelay $0x1  }
0xba: {  	v31 =	vadd.f32 v33, v31;
	_ =	sdelay $0x1  }
0xbb: {  	v27 =	vadd.f32 v27, v31;
	_ =	sdelay $0x1  }
0xbc: {  	v25 =	vadd.f32 v25, v27;
	_ =	sdelay $0x1  }
0xbd: {  	v23 =	vadd.f32 v23, v25;
	_ =	sdelay $0x1  }
0xbe: {  	v21 =	vadd.f32 v21, v23;
	v23 =	vadd.f32 $0.0e+00, v62;
	_ =	sdelay $0x1  }
0xbf: {  	v15 =	vadd.f32 v15, v23;
	_ =	sdelay $0x1  }
0xc0: {  	v23 =	vld [tilespmem:$0x1FD80];
	v15 =	vadd.f32 v63, v15;
	_ =	sdelay $0x1  }
0xc1: {  	v0 =	vadd.f32 v0, v15;
	v15 =	vld [tilespmem:$0x1FD90]  }
0xc2: {  	v19 =	vadd.f32 v19, v21;
	v21 =	vld [tilespmem:$0x1FD70]  }
0xc3: {  	v0 =	vadd.f32 v1, v0;
	v1 =	vld [tilespmem:$0x1FDB0]  }
0xc4: {  	v23 =	vadd.f32 $0.0e+00, v23  }
0xc5: {  	v0 =	vadd.f32 v2, v0;
	v2 =	vld [tilespmem:$0x1FDD0]  }
0xc6: {  	v15 =	vadd.f32 v15, v23;
	v23 =	vld [tilespmem:$0x1FDA0]  }
0xc7: {  	v21 =	vadd.f32 $0.0e+00, v21;
	v0 =	vadd.f32 v3, v0;
	v3 =	vld [tilespmem:$0x1FDF0]  }
0xc8: {  	v1 =	vadd.f32 v1, v15;
	v15 =	vld [tilespmem:$0x1FDC0]  }
0xc9: {  	v21 =	vadd.f32 v42, v21;
	v0 =	vadd.f32 v4, v0;
	v4 =	vld [tilespmem:$0x1FE10]  }
0xca: {  	v1 =	vadd.f32 v2, v1;
	v2 =	vld [tilespmem:$0x1FDE0]  }
0xcb: {  	v21 =	vadd.f32 v23, v21  }
0xcc: {  	v1 =	vadd.f32 v3, v1;
	v3 =	vld [tilespmem:$0x1FE00]  }
0xcd: {  	v15 =	vadd.f32 v15, v21  }
0xce: {  	v1 =	vadd.f32 v4, v1;
	v4 =	vld [tilespmem:$0x1FE20]  }
0xcf: {  	v2 =	vadd.f32 v2, v15;
	_ =	sdelay $0x1  }
0xd0: {  	v2 =	vadd.f32 v3, v2;
	_ =	sdelay $0x1  }
0xd1: {  	v2 =	vadd.f32 v4, v2;
	v4 =	vld [tilespmem:$0x1FE30];
	_ =	sdelay $0x4  }
0xd2: {  	v1 =	vadd.f32 v4, v1;
	v4 =	vld [tilespmem:$0x1FE40];
	_ =	sdelay $0x4  }
0xd3: {  	v2 =	vadd.f32 v4, v2;
	v4 =	vld [tilespmem:$0x1FE50];
	_ =	sdelay $0x4  }
0xd4: {  	v1 =	vadd.f32 v4, v1;
	v4 =	vld [tilespmem:$0x1FE60];
	_ =	sdelay $0x4  }
0xd5: {  	v2 =	vadd.f32 v4, v2;
	v4 =	vld [tilespmem:$0x1FE70];
	_ =	sdelay $0x4  }
0xd6: {  	v1 =	vadd.f32 v4, v1;
	v4 =	vld [tilespmem:$0x1FE80];
	_ =	sdelay $0x4  }
0xd7: {  	v2 =	vadd.f32 v4, v2;
	v4 =	vld [tilespmem:$0x1FE90];
	_ =	sdelay $0x4  }
0xd8: {  	v1 =	vadd.f32 v4, v1;
	v4 =	vld [tilespmem:$0x1FEA0];
	_ =	sdelay $0x4  }
0xd9: {  	v2 =	vadd.f32 v4, v2;
	v4 =	vld [tilespmem:$0x1FEB0];
	_ =	sdelay $0x4  }
0xda: {  	v1 =	vadd.f32 v4, v1;
	v4 =	vld [tilespmem:$0x1FEC0];
	_ =	sdelay $0x4  }
0xdb: {  	v2 =	vadd.f32 v4, v2;
	v4 =	vld [tilespmem:$0x1FED0]  }
0xdc: {  	v28 =	vadd.f32 v34, v28;
	_ =	sdelay $0x1  }
0xdd: {  	v28 =	vadd.f32 v32, v28;
	_ =	sdelay $0x1  }
0xde: {  	v26 =	vadd.f32 v26, v28;
	v1 =	vadd.f32 v4, v1;
	v4 =	vld [tilespmem:$0x1FEE0];
	_ =	sdelay $0x1  }
0xdf: {  	v24 =	vadd.f32 v24, v26;
	_ =	sdelay $0x1  }
0xe0: {  	v22 =	vadd.f32 v22, v24  }
0xe1: {  	v2 =	vadd.f32 v4, v2;
	v4 =	vld [tilespmem:$0x1FEF0]  }
0xe2: {  	v20 =	vadd.f32 v20, v22;
	_ =	sdelay $0x1  }
0xe3: {  	v18 =	vadd.f32 v18, v20;
	v20 =	vadd.f32 $0.0e+00, v41;
	_ =	sdelay $0x1  }
0xe4: {  	v20 =	vadd.f32 v45, v20;
	v1 =	vadd.f32 v4, v1;
	v4 =	vld [tilespmem:$0x1FF00];
	_ =	sdelay $0x1  }
0xe5: {  	v20 =	vadd.f32 v46, v20;
	_ =	sdelay $0x1  }
0xe6: {  	v20 =	vadd.f32 v47, v20  }
0xe7: {  	v2 =	vadd.f32 v4, v2;
	v4 =	vld [tilespmem:$0x1FF10]  }
0xe8: {  	v20 =	vadd.f32 v48, v20;
	_ =	sdelay $0x1  }
0xe9: {  	v15 =	vadd.f32 v49, v20;
	_ =	sdelay $0x1  }
0xea: {  	v3 =	vadd.f32 v50, v15;
	v1 =	vadd.f32 v4, v1;
	v4 =	vld [tilespmem:$0x1FF20];
	_ =	sdelay $0x1  }
0xeb: {  	v3 =	vadd.f32 v51, v3;
	_ =	sdelay $0x1  }
0xec: {  	v37 =	vld [tilespmem:s24+$0x7830];
	v3 =	vadd.f32 v52, v3  }
0xed: {  	v2 =	vadd.f32 v4, v2;
	v4 =	vld [tilespmem:$0x1FF30]  }
0xee: {  	v38 =	vld [tilespmem:s24+$0x7860];
	v3 =	vadd.f32 v53, v3  }
0xef: {  	v39 =	vld [tilespmem:s24+$0x7870];
	v0 =	vadd.f32 v5, v0  }
0xf0: {  	v40 =	vld [tilespmem:s24+$0x78A0];
	v3 =	vadd.f32 v54, v3  }
0xf1: {  	v34 =	vld [tilespmem:s24+$0x78B0];
	v0 =	vadd.f32 v6, v0  }
0xf2: {  	v3 =	vadd.f32 v55, v3;
	v1 =	vadd.f32 v4, v1;
	v4 =	vld [tilespmem:$0x1FF40]  }
0xf3: {  	v36 =	vld [tilespmem:s24+$0x78E0];
	v29 =	vadd.f32 v35, v29;
	v0 =	vadd.f32 v7, v0  }
0xf4: {  	v30 =	vadd.f32 v37, v30;
	v37 =	vld [tilespmem:s24+$0x78F0];
	v3 =	vadd.f32 v56, v3  }
0xf5: {  	v29 =	vadd.f32 v38, v29;
	v28 =	vld [tilespmem:s24+$0x7930];
	v0 =	vadd.f32 v8, v0  }
0xf6: {  	v30 =	vadd.f32 v39, v30;
	v39 =	vld [tilespmem:s24+$0x7920];
	v3 =	vadd.f32 v57, v3  }
0xf7: {  	v0 =	vadd.f32 v9, v0;
	v2 =	vadd.f32 v4, v2;
	v4 =	vld [tilespmem:$0x1FF50]  }
0xf8: {  	v26 =	vld [tilespmem:s24+$0x7960];
	v3 =	vadd.f32 v58, v3  }
0xf9: {  	v29 =	vadd.f32 v40, v29;
	v6 =	vld [tilespmem:$0x1FF70];
	v0 =	vadd.f32 v10, v0  }
0xfa: {  	v30 =	vadd.f32 v34, v30;
	v7 =	vld [tilespmem:$0x1FFA0];
	v3 =	vadd.f32 v59, v3  }
0xfb: {  	v27 =	vadd.f32 v36, v29;
	v9 =	vld [tilespmem:$0x1FF90];
	v0 =	vadd.f32 v11, v0  }
0xfc: {  	v3 =	vadd.f32 v60, v3;
	v1 =	vadd.f32 v4, v1;
	v4 =	vld [tilespmem:$0x1FF60]  }
0xfd: {  	v29 =	vadd.f32 v37, v30;
	v30 =	vld [tilespmem:s24+$0x7970];
	v0 =	vadd.f32 v12, v0  }
0xfe: {  	v3 =	vadd.f32 v43, v3;
	v1 =	vadd.f32 v6, v1;
	v6 =	vld [tilespmem:$0x1FF80]  }
0xff: {  	v5 =	vld [tilespmem:s24+$0x79B0]  }
0x100: {  	v0 =	vadd.f32 v13, v0;
	v3 =	vadd.f32 v7, v3;
	v7 =	vld [tilespmem:s24+$0x79F0]  }
0x101: {  	v1 =	vadd.f32 v9, v1;
	v9 =	vld [tilespmem:$0x1FFB0];
	v2 =	vadd.f32 v4, v2  }
0x102: {  	v8 =	vadd.f32 v17, v18;
	v0 =	vadd.f32 v14, v0;
	v4 =	vld [tilespmem:s24+$0x79A0]  }
0x103: {  	v2 =	vadd.f32 v6, v2;
	v6 =	vld [tilespmem:s24+$0x79E0];
	s24 =	sshll.u32 s23, $0x7  }
0x104: {  	v24 =	vadd.f32 v39, v27;
	v0 =	vadd.f32 v61, v0;
	[tilespmem:s24+$0xFC00] =	vst v8;
	v8 =	vld [tilespmem:$0x1FFC0];
	_ =	sdelay $0x1  }
0x105: {  	v22 =	vadd.f32 v26, v24;
	v0 =	vadd.f32 v44, v0  }
0x106: {  	v2 =	vadd.f32 v9, v2;
	v9 =	vld [tilespmem:$0x1FFD0]  }
0x107: {  	[tilespmem:s24+$0xDC00] =	vst v0;
	v0 =	vadd.f32 v4, v22;
	v4 =	vadd.f32 v16, v19  }
0x108: {  	v1 =	vadd.f32 v8, v1;
	v8 =	vld [tilespmem:$0x1FFE0]  }
0x109: {  	v25 =	vadd.f32 v28, v29;
	[tilespmem:s24+$0xFC10] =	vst v4;
	v4 =	vld [tilespmem:$0x1FFF0];
	_ =	sdelay $0x1  }
0x10a: {  	v24 =	vadd.f32 v30, v25;
	v3 =	vadd.f32 v9, v3  }
0x10b: {  	v0 =	vadd.f32 v6, v0  }
0x10c: {  	[tilespmem:s24+$0xDC10] =	vst v3;
	v3 =	vadd.f32 v5, v24;
	v2 =	vadd.f32 v8, v2  }
0x10d: {  	[tilespmem:s24+$0xFC20] =	vst v0;
	v1 =	vadd.f32 v4, v1  }
0x10e: {  	[tilespmem:s24+$0xDC20] =	vst v2;
	v2 =	vadd.f32 v7, v3  }
0x10f: {  	[tilespmem:s24+$0xDC30] =	vst v1  }
0x110: {  	[tilespmem:s24+$0xFC30] =	vst v2  }
0x111: {  	v61 =	vld [tilespmem:$0x7300]  }
0x112: {  	v41 =	vld [tilespmem:$0x7310]  }
0x113: {  	v0 =	vld [tilespmem:$0x7320]  }
0x114: {  	v15 =	vld [tilespmem:$0x7340]  }
0x115: {  	v43 =	vld [tilespmem:$0x7350]  }
0x116: {  	v42 =	vld [tilespmem:$0x7360]  }
0x117: {  	v62 =	vld [tilespmem:$0x7380]  }
0x118: {  	v44 =	vld [tilespmem:$0x7390]  }
0x119: {  	v63 =	vld [tilespmem:$0x73C0]  }
0x11a: {  	v45 =	vld [tilespmem:$0x73D0]  }
0x11b: {  	v46 =	vld [tilespmem:$0x7410]  }
0x11c: {  	v1 =	vld [tilespmem:$0x7420]  }
0x11d: {  	v47 =	vld [tilespmem:$0x7450]  }
0x11e: {  	v2 =	vld [tilespmem:$0x7460]  }
0x11f: {  	v48 =	vld [tilespmem:$0x7490]  }
0x120: {  	v3 =	vld [tilespmem:$0x74A0]  }
0x121: {  	v49 =	vld [tilespmem:$0x74D0]  }
0x122: {  	v4 =	vld [tilespmem:$0x74E0]  }
0x123: {  	v50 =	vld [tilespmem:$0x7510]  }
0x124: {  	v5 =	vld [tilespmem:$0x7520]  }
0x125: {  	v51 =	vld [tilespmem:$0x7550]  }
0x126: {  	v6 =	vld [tilespmem:$0x7560]  }
0x127: {  	v52 =	vld [tilespmem:$0x7590]  }
0x128: {  	v7 =	vld [tilespmem:$0x75A0]  }
0x129: {  	v53 =	vld [tilespmem:$0x75D0]  }
0x12a: {  	v8 =	vld [tilespmem:$0x75E0]  }
0x12b: {  	v54 =	vld [tilespmem:$0x7610]  }
0x12c: {  	v9 =	vld [tilespmem:$0x7620]  }
0x12d: {  	v55 =	vld [tilespmem:$0x7650]  }
0x12e: {  	v10 =	vld [tilespmem:$0x7660]  }
0x12f: {  	v56 =	vld [tilespmem:$0x7690]  }
0x130: {  	v11 =	vld [tilespmem:$0x76A0]  }
0x131: {  	v57 =	vld [tilespmem:$0x76D0]  }
0x132: {  	v12 =	vld [tilespmem:$0x76E0]  }
0x133: {  	v58 =	vld [tilespmem:$0x7710]  }
0x134: {  	v13 =	vld [tilespmem:$0x7720]  }
0x135: {  	v59 =	vld [tilespmem:$0x7750]  }
0x136: {  	v14 =	vld [tilespmem:$0x7760]  }
0x137: {  	v16 =	vld [tilespmem:$0x7790]  }
0x138: {  	s25 =	simm.s32 $0x0;
	v60 =	vld [tilespmem:$0x77C0]  }
0x139: {  	v17 =	vld [tilespmem:s25+$0xABC0]  }
0x13a: {  	v18 =	vld [tilespmem:s25+$0xAB80]  }
0x13b: {  	v19 =	vld [tilespmem:s25+$0xAB90]  }
0x13c: {  	v20 =	vld [tilespmem:s25+$0xAB40]  }
0x13d: {  	v21 =	vld [tilespmem:s25+$0xAB50]  }
0x13e: {  	v22 =	vld [tilespmem:s25+$0xAB00]  }
0x13f: {  	v23 =	vld [tilespmem:s25+$0xAB10]  }
0x140: {  	v24 =	vld [tilespmem:s25+$0xAAC0]  }
0x141: {  	v25 =	vld [tilespmem:s25+$0xAAD0]  }
0x142: {  	v26 =	vld [tilespmem:s25+$0xAA80]  }
0x143: {  	v27 =	vld [tilespmem:s25+$0xAA90]  }
0x144: {  	v32 =	vld [tilespmem:s25+$0xAA40]  }
0x145: {  	v33 =	vld [tilespmem:s25+$0xAA50]  }
0x146: {  	v34 =	vld [tilespmem:s25+$0xAA00]  }
0x147: {  	v36 =	vld [tilespmem:s25+$0xAA10]  }
0x148: {  	v35 =	vld [tilespmem:s25+$0xAA20]  }
0x149: {  	[tilespmem:$0x1FAE0] =	vst v0;
	v0 =	vld [tilespmem:$0x7330]  }
0x14a: {  	[tilespmem:$0x1FB50] =	vst v1;
	v1 =	vld [tilespmem:$0x7430]  }
0x14b: {  	[tilespmem:$0x1FB70] =	vst v2;
	v2 =	vld [tilespmem:$0x7470]  }
0x14c: {  	[tilespmem:$0x1FB90] =	vst v3;
	v3 =	vld [tilespmem:$0x74B0]  }
0x14d: {  	[tilespmem:$0x1FBB0] =	vst v4;
	v4 =	vld [tilespmem:$0x74F0]  }
0x14e: {  	[tilespmem:$0x1FBD0] =	vst v5;
	v5 =	vld [tilespmem:$0x7530]  }
0x14f: {  	[tilespmem:$0x1FBF0] =	vst v6;
	v6 =	vld [tilespmem:$0x7570]  }
0x150: {  	[tilespmem:$0x1FC10] =	vst v7;
	v7 =	vld [tilespmem:$0x75B0]  }
0x151: {  	[tilespmem:$0x1FC30] =	vst v8;
	v8 =	vld [tilespmem:$0x75F0]  }
0x152: {  	[tilespmem:$0x1FC50] =	vst v9;
	v9 =	vld [tilespmem:$0x7630]  }
0x153: {  	[tilespmem:$0x1FC70] =	vst v10;
	v10 =	vld [tilespmem:$0x7670]  }
0x154: {  	[tilespmem:$0x1FC90] =	vst v11;
	v11 =	vld [tilespmem:$0x76B0]  }
0x155: {  	[tilespmem:$0x1FCB0] =	vst v12;
	v12 =	vld [tilespmem:$0x76F0]  }
0x156: {  	[tilespmem:$0x1FCD0] =	vst v13;
	v13 =	vld [tilespmem:$0x7730]  }
0x157: {  	[tilespmem:$0x1FD10] =	vst v16;
	v16 =	vld [tilespmem:$0x77A0]  }
0x158: {  	[tilespmem:$0x1FAF0] =	vst v0;
	v0 =	vld [tilespmem:$0x7370]  }
0x159: {  	[tilespmem:$0x1FCF0] =	vst v14;
	v14 =	vld [tilespmem:$0x7770]  }
0x15a: {  	[tilespmem:$0x1FB60] =	vst v1;
	v1 =	vld [tilespmem:$0x7440]  }
0x15b: {  	[tilespmem:$0x1FB80] =	vst v2;
	v2 =	vld [tilespmem:$0x7480]  }
0x15c: {  	[tilespmem:$0x1FD20] =	vst v16;
	v16 =	vld [tilespmem:$0x77B0]  }
0x15d: {  	[tilespmem:$0x1FB00] =	vst v0;
	v0 =	vld [tilespmem:$0x73A0]  }
0x15e: {  	[tilespmem:$0x1FBA0] =	vst v3;
	v3 =	vld [tilespmem:$0x74C0]  }
0x15f: {  	[tilespmem:$0x1FBC0] =	vst v4;
	v4 =	vld [tilespmem:$0x7500]  }
0x160: {  	[tilespmem:$0x1FBE0] =	vst v5;
	v5 =	vld [tilespmem:$0x7540]  }
0x161: {  	[tilespmem:$0x1FD30] =	vst v16;
	v16 =	vld [tilespmem:$0x77D0]  }
0x162: {  	[tilespmem:$0x1FB10] =	vst v0;
	v0 =	vld [tilespmem:$0x73B0]  }
0x163: {  	[tilespmem:$0x1FC00] =	vst v6;
	v6 =	vld [tilespmem:$0x7580]  }
0x164: {  	[tilespmem:$0x1FC20] =	vst v7;
	v7 =	vld [tilespmem:$0x75C0]  }
0x165: {  	[tilespmem:$0x1FC40] =	vst v8;
	v8 =	vld [tilespmem:$0x7600]  }
0x166: {  	[tilespmem:$0x1FD40] =	vst v16;
	v16 =	vld [tilespmem:$0x77E0]  }
0x167: {  	[tilespmem:$0x1FB20] =	vst v0;
	v0 =	vld [tilespmem:$0x73E0]  }
0x168: {  	[tilespmem:$0x1FC60] =	vst v9;
	v9 =	vld [tilespmem:$0x7640]  }
0x169: {  	[tilespmem:$0x1FC80] =	vst v10;
	v10 =	vld [tilespmem:$0x7680]  }
0x16a: {  	[tilespmem:$0x1FCA0] =	vst v11;
	v11 =	vld [tilespmem:$0x76C0]  }
0x16b: {  	[tilespmem:$0x1FD50] =	vst v16;
	v16 =	vld [tilespmem:$0x77F0]  }
0x16c: {  	[tilespmem:$0x1FB30] =	vst v0;
	v0 =	vld [tilespmem:$0x73F0]  }
0x16d: {  	[tilespmem:$0x1FCC0] =	vst v12;
	v12 =	vld [tilespmem:$0x7700]  }
0x16e: {  	[tilespmem:$0x1FCE0] =	vst v13;
	v13 =	vld [tilespmem:$0x7740]  }
0x16f: {  	[tilespmem:$0x1FD00] =	vst v14;
	v14 =	vld [tilespmem:$0x7780]  }
0x170: {  	v31 =	vimm.f32 $0.0e+00;
	[tilespmem:$0x1FD60] =	vst v16;
	v16 =	vld [tilespmem:s25+$0xABD0]  }
0x171: {  	s26 =	simm.s32 $0x800;
	v28 =	vimm.f32 $0.0e+00;
	v29 =	vimm.f32 $0.0e+00;
	v30 =	vimm.f32 $0.0e+00;
	[tilespmem:$0x1FB40] =	vst v0;
	v0 =	vld [tilespmem:$0x7400]  }
.LBB2_5:
0x172: {  	p0 =	sne.s32 s26, $0xC000;
	v37 =	vld [tilespmem:s25+$0xAA30]  }
0x173: {  	v38 =	vld [tilespmem:s25+$0xAA60]  }
0x174: {  	v39 =	vld [tilespmem:s25+$0xAA70]  }
0x175: {  	v40 =	vld [tilespmem:s25+$0xAAA0]  }
0x176: {  	v28 =	vadd.f32 v34, v28;
	v31 =	vadd.f32 v36, v31;
	v34 =	vld [tilespmem:s25+$0xAAB0]  }
0x177: {  	v29 =	vadd.f32 v35, v29;
	v30 =	vadd.f32 v37, v30;
	v35 =	vld [tilespmem:s25+$0xAAE0]  }
0x178: {  	v28 =	vadd.f32 v32, v28;
	v31 =	vadd.f32 v33, v31;
	v32 =	vld [tilespmem:s25+$0xAAF0]  }
0x179: {  	v29 =	vadd.f32 v38, v29;
	v30 =	vadd.f32 v39, v30;
	v33 =	vld [tilespmem:s25+$0xAB20]  }
0x17a: {  	v26 =	vadd.f32 v26, v28;
	v27 =	vadd.f32 v27, v31;
	v28 =	vld [tilespmem:s25+$0xAB30]  }
0x17b: {  	v29 =	vadd.f32 v40, v29;
	v30 =	vadd.f32 v34, v30;
	v31 =	vld [tilespmem:s25+$0xAB60]  }
0x17c: {  	v24 =	vadd.f32 v24, v26;
	v25 =	vadd.f32 v25, v27;
	v26 =	vld [tilespmem:s25+$0xAB70]  }
0x17d: {  	v27 =	vadd.f32 v35, v29;
	v29 =	vadd.f32 v32, v30;
	v30 =	vld [tilespmem:s25+$0xABA0]  }
0x17e: {  	v22 =	vadd.f32 v22, v24;
	v23 =	vadd.f32 v23, v25;
	v24 =	vld [tilespmem:s25+$0xABB0]  }
0x17f: {  	v25 =	vadd.f32 v33, v27;
	v27 =	vadd.f32 v28, v29;
	v29 =	vld [tilespmem:s25+$0xABE0]  }
0x180: {  	v20 =	vadd.f32 v20, v22;
	v21 =	vadd.f32 v21, v23;
	v22 =	vld [tilespmem:s25+$0xABF0];
	s25 =	sshra.s32 s26, $0x2  }
0x181: {  	v25 =	vadd.f32 v31, v25;
	v23 =	vld [tilespmem:s25+$0xABC0];
	v26 =	vadd.f32 v26, v27  }
0x182: {  	v20 =	vadd.f32 v18, v20;
	v21 =	vadd.f32 v19, v21;
	v27 =	vld [tilespmem:s25+$0xABD0]  }
0x183: {  	v25 =	vadd.f32 v30, v25;
	v18 =	vld [tilespmem:s25+$0xAB80];
	v24 =	vadd.f32 v24, v26  }
0x184: {  	v28 =	vadd.f32 v17, v20;
	v31 =	vadd.f32 v16, v21;
	v19 =	vld [tilespmem:s25+$0xAB90]  }
0x185: {  	v29 =	vadd.f32 v29, v25;
	v20 =	vld [tilespmem:s25+$0xAB40];
	v30 =	vadd.f32 v22, v24  }
0x186: {  	v21 =	vld [tilespmem:s25+$0xAB50];
	v17 =	vmov v23  }
0x187: {  	v22 =	vld [tilespmem:s25+$0xAB00];
	v16 =	vmov v27  }
0x188: {  	v23 =	vld [tilespmem:s25+$0xAB10]  }
0x189: {  	v24 =	vld [tilespmem:s25+$0xAAC0]  }
0x18a: {  	v25 =	vld [tilespmem:s25+$0xAAD0]  }
0x18b: {  	v26 =	vld [tilespmem:s25+$0xAA80]  }
0x18c: {  	v27 =	vld [tilespmem:s25+$0xAA90]  }
.Ltmp1:
0x18d: {  	v32 =	vld [tilespmem:s25+$0xAA40];
	(pc) =	sbr.rel @p0 .LBB2_5-.Ltmp1, $4  }
0x18e: {  	v33 =	vld [tilespmem:s25+$0xAA50]  }
0x18f: {  	v34 =	vld [tilespmem:s25+$0xAA00]  }
0x190: {  	v36 =	vld [tilespmem:s25+$0xAA10]  }
0x191: {  	s26 =	sadd.s32 $0x800, s26;
	v35 =	vld [tilespmem:s25+$0xAA20]  }
0x192: {  	v37 =	vld [tilespmem:s25+$0xAA30]  }
0x193: {  	v38 =	vld [tilespmem:s25+$0xAA60]  }
0x194: {  	v39 =	vld [tilespmem:s25+$0xAA70]  }
0x195: {  	v40 =	vld [tilespmem:s25+$0xAAA0];
	v28 =	vadd.f32 v34, v28  }
0x196: {  	v34 =	vld [tilespmem:s25+$0xAAB0];
	v31 =	vadd.f32 v36, v31;
	v29 =	vadd.f32 v35, v29  }
0x197: {  	v35 =	vld [tilespmem:s25+$0xAAE0];
	v28 =	vadd.f32 v32, v28;
	v30 =	vadd.f32 v37, v30  }
0x198: {  	v36 =	vld [tilespmem:s25+$0xAAF0];
	v31 =	vadd.f32 v33, v31;
	v29 =	vadd.f32 v38, v29  }
0x199: {  	v37 =	vld [tilespmem:s25+$0xAB20];
	v26 =	vadd.f32 v26, v28;
	v30 =	vadd.f32 v39, v30  }
0x19a: {  	v38 =	vld [tilespmem:s25+$0xAB30];
	v27 =	vadd.f32 v27, v31;
	v29 =	vadd.f32 v40, v29  }
0x19b: {  	v24 =	vadd.f32 v24, v26;
	v30 =	vadd.f32 v34, v30  }
0x19c: {  	v39 =	vld [tilespmem:s25+$0xAB60];
	v25 =	vadd.f32 v25, v27;
	v40 =	vadd.f32 v35, v29  }
0x19d: {  	v22 =	vadd.f32 v22, v24;
	v34 =	vadd.f32 v36, v30  }
0x19e: {  	v32 =	vld [tilespmem:$0x1FC00];
	v23 =	vadd.f32 v23, v25;
	v36 =	vadd.f32 v37, v40  }
0x19f: {  	v20 =	vadd.f32 v20, v22;
	v40 =	vld [tilespmem:$0x1FAE0];
	v37 =	vadd.f32 v38, v34  }
0x1a0: {  	v33 =	vld [tilespmem:$0x1FC10];
	v21 =	vadd.f32 v21, v23;
	v38 =	vadd.f32 $0.0e+00, v61  }
0x1a1: {  	v28 =	vld [tilespmem:$0x1FBC0];
	v22 =	vadd.f32 v39, v36;
	v39 =	vadd.f32 $0.0e+00, v41  }
0x1a2: {  	v31 =	vld [tilespmem:$0x1FBF0];
	v18 =	vadd.f32 v18, v20;
	v15 =	vadd.f32 v15, v38  }
0x1a3: {  	v26 =	vld [tilespmem:$0x1FBA0];
	v19 =	vadd.f32 v19, v21;
	v20 =	vadd.f32 v43, v39  }
0x1a4: {  	v41 =	vld [tilespmem:$0x1FAF0];
	v21 =	vadd.f32 $0.0e+00, v40;
	v15 =	vadd.f32 v62, v15  }
0x1a5: {  	v43 =	vld [tilespmem:$0x1FB10];
	v20 =	vadd.f32 v44, v20  }
0x1a6: {  	v21 =	vadd.f32 v42, v21;
	v15 =	vadd.f32 v63, v15;
	v42 =	vld [tilespmem:$0x1FB00]  }
0x1a7: {  	v44 =	vld [tilespmem:$0x1FB20]  }
0x1a8: {  	v20 =	vadd.f32 v45, v20;
	v45 =	vld [tilespmem:$0x1FB30];
	v0 =	vadd.f32 v0, v15  }
0x1a9: {  	v61 =	vld [tilespmem:$0x1FB50];
	v23 =	vadd.f32 $0.0e+00, v41  }
0x1aa: {  	v20 =	vadd.f32 v46, v20;
	v46 =	vld [tilespmem:$0x1FB40];
	v0 =	vadd.f32 v1, v0  }
0x1ab: {  	v35 =	vld [tilespmem:s25+$0xAB70];
	v21 =	vadd.f32 v43, v21;
	v23 =	vadd.f32 v42, v23  }
0x1ac: {  	v62 =	vld [tilespmem:$0x1FB60];
	v20 =	vadd.f32 v47, v20;
	v0 =	vadd.f32 v2, v0  }
0x1ad: {  	v63 =	vld [tilespmem:$0x1FB70];
	v21 =	vadd.f32 v45, v21;
	v15 =	vadd.f32 v44, v23  }
0x1ae: {  	v20 =	vadd.f32 v48, v20;
	v23 =	vld [tilespmem:$0x1FB90];
	v0 =	vadd.f32 v3, v0  }
0x1af: {  	v1 =	vadd.f32 v46, v15;
	v15 =	vadd.f32 v61, v21;
	v21 =	vld [tilespmem:$0x1FB80]  }
0x1b0: {  	v27 =	vld [tilespmem:$0x1FBB0];
	v24 =	vadd.f32 v35, v37  }
0x1b1: {  	v25 =	vadd.f32 v49, v20;
	v49 =	vld [tilespmem:s25+$0xABB0];
	v0 =	vadd.f32 v4, v0  }
0x1b2: {  	v29 =	vld [tilespmem:$0x1FBD0];
	v1 =	vadd.f32 v62, v1;
	v2 =	vadd.f32 v63, v15  }
0x1b3: {  	v30 =	vld [tilespmem:$0x1FBE0];
	v3 =	vadd.f32 v50, v25;
	v0 =	vadd.f32 v5, v0  }
0x1b4: {  	v34 =	vld [tilespmem:$0x1FC20];
	v2 =	vadd.f32 v23, v2;
	v1 =	vadd.f32 v21, v1  }
0x1b5: {  	v36 =	vld [tilespmem:$0x1FC40];
	v3 =	vadd.f32 v51, v3;
	v0 =	vadd.f32 v6, v0  }
0x1b6: {  	v35 =	vld [tilespmem:$0x1FC30];
	v61 =	vadd.f32 v49, v24;
	v1 =	vadd.f32 v26, v1  }
0x1b7: {  	v37 =	vld [tilespmem:$0x1FC50];
	v2 =	vadd.f32 v27, v2;
	v3 =	vadd.f32 v52, v3  }
0x1b8: {  	v38 =	vld [tilespmem:$0x1FC60];
	v52 =	vadd.f32 v17, v18;
	v1 =	vadd.f32 v28, v1  }
0x1b9: {  	v39 =	vld [tilespmem:$0x1FC70];
	v0 =	vadd.f32 v7, v0;
	v2 =	vadd.f32 v29, v2  }
0x1ba: {  	v40 =	vld [tilespmem:$0x1FC80];
	v3 =	vadd.f32 v53, v3;
	v1 =	vadd.f32 v30, v1  }
0x1bb: {  	v41 =	vld [tilespmem:$0x1FC90];
	v0 =	vadd.f32 v8, v0;
	v2 =	vadd.f32 v31, v2  }
0x1bc: {  	v43 =	vld [tilespmem:$0x1FCB0];
	v3 =	vadd.f32 v54, v3;
	v1 =	vadd.f32 v32, v1  }
0x1bd: {  	v54 =	vld [tilespmem:s25+$0xABF0];
	v0 =	vadd.f32 v9, v0;
	v2 =	vadd.f32 v33, v2  }
0x1be: {  	v42 =	vld [tilespmem:$0x1FCA0];
	v3 =	vadd.f32 v55, v3;
	v1 =	vadd.f32 v34, v1  }
0x1bf: {  	v47 =	vld [tilespmem:$0x1FCE0];
	v0 =	vadd.f32 v10, v0;
	v2 =	vadd.f32 v35, v2  }
0x1c0: {  	v45 =	vld [tilespmem:$0x1FCD0];
	v3 =	vadd.f32 v56, v3;
	v1 =	vadd.f32 v36, v1  }
0x1c1: {  	v44 =	vld [tilespmem:$0x1FCC0];
	v0 =	vadd.f32 v11, v0;
	v2 =	vadd.f32 v37, v2  }
0x1c2: {  	v48 =	vld [tilespmem:$0x1FCF0];
	v63 =	vadd.f32 v54, v61;
	v1 =	vadd.f32 v38, v1  }
0x1c3: {  	v46 =	vld [tilespmem:s25+$0xABA0];
	v3 =	vadd.f32 v57, v3;
	v2 =	vadd.f32 v39, v2  }
0x1c4: {  	v50 =	vld [tilespmem:$0x1FD10];
	v0 =	vadd.f32 v12, v0;
	v1 =	vadd.f32 v40, v1  }
0x1c5: {  	v51 =	vld [tilespmem:s25+$0xABE0];
	v3 =	vadd.f32 v58, v3;
	v2 =	vadd.f32 v41, v2  }
0x1c6: {  	v53 =	vld [tilespmem:$0x1FD00];
	v0 =	vadd.f32 v13, v0;
	v1 =	vadd.f32 v42, v1  }
0x1c7: {  	v55 =	vld [tilespmem:$0x1FD20];
	v58 =	vadd.f32 v16, v19;
	v2 =	vadd.f32 v43, v2  }
0x1c8: {  	v56 =	vld [tilespmem:$0x1FD40];
	v0 =	vadd.f32 v14, v0;
	v1 =	vadd.f32 v44, v1  }
0x1c9: {  	v3 =	vadd.f32 v59, v3;
	v59 =	vld [tilespmem:$0x1FD30];
	v2 =	vadd.f32 v45, v2  }
0x1ca: {  	v0 =	vadd.f32 v60, v0;
	v60 =	vld [tilespmem:$0x1FD50];
	v1 =	vadd.f32 v47, v1  }
0x1cb: {  	v62 =	vld [tilespmem:$0x1FD60];
	[tilespmem:s24+$0xFC40] =	vst v52;
	v3 =	vadd.f32 v50, v3;
	v2 =	vadd.f32 v48, v2  }
0x1cc: {  	s23 =	sadd.s32 $0x1, s23;
	v57 =	vadd.f32 v46, v22;
	[tilespmem:s24+$0xFC70] =	vst v63;
	v1 =	vadd.f32 v53, v1  }
0x1cd: {  	p0 =	sne.s32 s23, $0x40;
	[tilespmem:s24+$0xFC50] =	vst v58;
	v3 =	vadd.f32 v56, v3;
	v2 =	vadd.f32 v55, v2  }
.Ltmp2:
0x1ce: {  	[tilespmem:s24+$0xDC40] =	vst v0;
	v0 =	vadd.f32 v51, v57;
	v1 =	vadd.f32 v59, v1;
	(pc) =	sbr.rel @p0 .LBB2_2-.Ltmp2, $4  }
0x1cf: {  	[tilespmem:s24+$0xDC50] =	vst v3;
	v2 =	vadd.f32 v60, v2  }
0x1d0: {  	[tilespmem:s24+$0xFC60] =	vst v0;
	v1 =	vadd.f32 v62, v1  }
0x1d1: {  	[tilespmem:s24+$0xDC60] =	vst v2  }
0x1d2: {  	[tilespmem:s24+$0xDC70] =	vst v1  }
0x1d3: {  	[hbm4b:s6+s2] =	stream.linear.scatter [tilespmem:s20], [sflag:$0x2], $0x2000, $0x38;
	[tilespmem:$0x11C00] =	vst v63  }
0x1d4: {  	s22 =	sadd.s32 $0x1, s22;
	_ =	swait.ge [sflag:s9], $0x2000  }
0x1d5: {  	p0 =	sne.s32 s22, s8;
	[sflag:s9] =	ssyncset.done $0x0  }
.Ltmp3:
0x1d6: {  	[sflag:s9] =	ssyncadd.s32 $0xFFFFE000;
	(pc) =	sbr.rel @p0 .LBB2_1-.Ltmp3, $4  }
0x1d7: {  	[hbm4b:s7+s2] =	stream.linear.scatter [tilespmem:s21], [sflag:$0x2], $0x2000, $0x38;
	[tilespmem:$0x11C00] =	vst v63  }
0x1d8: {  	_ =	swait.ge [sflag:s9], $0x2000  }
0x1d9: {  	[sflag:s9] =	ssyncset.done $0x0  }
0x1da: {  	[sflag:s9] =	ssyncadd.s32 $0xFFFFE000  }
0x1db: {  	_ =	sfence.sel $0x180000  }
0x1dc: {  	[bflag:$0x0] =	sbarrier.arrive $0xFFFF  }
0x1dd: {  	p0 =	sne.s32 s0, $0x0;
	_ =	strace $0x90000047  }
0x1de: {  	s0 =	sadd.s32 @!p0 $0x100000, s1;
	[bflag:$0x2] =	sbarrier.arrive $0xFFFF  }
0x1df: {  	[sflag:s0] =	ssyncadd.tile.s32 @!p0 $0x1;
	_ =	shalt  }
.Lfunc_end2:
_tile_overlayer_lowered:
.L_overlay_start_2:
0x1e0: {  	(tag) =	ssettag $0x2  }
0x1e1: {  	s0 =	rddreg [dreg:$0x0];
	s2 =	stileid.u32  }
0x1e2: {  	s1 =	rddreg [dreg:$0x1];
	p0 =	sne.s32 s2, $0x0  }
0x1e3: {  	s3 =	rddreg [dreg:$0x2];
	[bflag:$0x3] =	sbarrier.arrive $0xFFFF;
	s2 =	simm.s32 @!p0 $0x1C02  }
0x1e4: {  	[timem:s3], [sflag:s2] =	dma.local @!p0 [hbm:s0], s1  }
0x1e5: {  	s0 =	simm.s32 @!p0 $0x2  }
0x1e6: {  	_ =	swait.ge @!p0 [sflag:s0], s1  }
0x1e7: {  	s1 =	ssub.s32 @!p0 $0x0, s1;
	[sflag:s0] =	ssyncset.done @!p0 $0x0  }
0x1e8: {  	[sflag:s0] =	ssyncadd.s32 @!p0 s1  }
0x1e9: {  	[bflag:$0x3] =	sbarrier.arrive $0xFFFF  }
0x1ea: {  	_ =	shalt  }

</sc_bundles>
